<compile_context>
chip_gen: v7x
topology: tpu7x:2x2x1
jax: 0.10.2.dev20260603
libtpu: 0.0.44.dev20260713+nightly
codegen_flags: <defaults>
</compile_context>

<pallas_src>
import functools

import jax
import jax.numpy as jnp
from jax import lax
from jax.experimental import pallas as pl
from jax.experimental.pallas import tpu as pltpu
from jax.experimental.pallas import tpu_sc as plsc

B = 16384
EMB = 128
LAT = 64
GATHER = 128
STAGE = 256
NBUF = 3
FA = 2

_NC, _NS = 2, 16
_NW = _NC * _NS
_BPW = B // _NW
_SPT = _BPW // STAGE
_NSTAGE = 3 * _SPT


@functools.cache
def _make_gather3():
    mesh = plsc.VectorSubcoreMesh(
        core_axis_name="c", subcore_axis_name="s", num_cores=_NC
    )

    @functools.partial(
        pl.kernel,
        mesh=mesh,
        out_type=(
            jax.ShapeDtypeStruct((B, EMB), jnp.float32),
            jax.ShapeDtypeStruct((B, EMB), jnp.float32),
            jax.ShapeDtypeStruct((B, EMB), jnp.float32),
        ),
        scratch_types=[
            pltpu.VMEM((_BPW,), jnp.int32),
            pltpu.VMEM((_BPW,), jnp.int32),
            pltpu.VMEM((_BPW,), jnp.int32),
        ]
        + [pltpu.VMEM((STAGE, EMB), jnp.float32) for _ in range(NBUF)]
        + [
            pltpu.SemaphoreType.DMA,
            pltpu.SemaphoreType.DMA,
            pltpu.SemaphoreType.DMA,
        ],
    )
    def gather3(
        g_hbm, b_hbm, p_hbm, gt_hbm, bt_hbm, pt_hbm,
        og_hbm, ob_hbm, op_hbm, ig_v, ib_v, ip_v, *rest,
    ):
        bufs = rest[:NBUF]
        isem, gsem, wsem = rest[NBUF:]
        wid = lax.axis_index("s") * _NC + lax.axis_index("c")
        base = wid * _BPW
        tabs = (gt_hbm, bt_hbm, pt_hbm)
        outs = (og_hbm, ob_hbm, op_hbm)
        idxs = (ig_v, ib_v, ip_v)
        icopies = [
            pltpu.async_copy(idx.at[pl.ds(base, _BPW)], idxs[t], isem)
            for t, idx in enumerate((g_hbm, b_hbm, p_hbm))
        ]
        idx_ready = [False, False, False]

        def fire_gather(s):
            t, h = s // _SPT, s % _SPT
            if not idx_ready[t]:
                icopies[t].wait()
                idx_ready[t] = True
            return [
                pltpu.async_copy(
                    tabs[t].at[idxs[t].at[pl.ds(h * STAGE + j * GATHER, GATHER)]],
                    bufs[s % NBUF].at[pl.ds(j * GATHER, GATHER)],
                    gsem,
                )
                for j in range(STAGE // GATHER)
            ]

        def fire_write(s):
            t, h = s // _SPT, s % _SPT
            return pltpu.async_copy(
                bufs[s % NBUF],
                outs[t].at[pl.ds(base + h * STAGE, STAGE)],
                wsem,
            )

        gathers = {k: fire_gather(k) for k in range(FA)}
        writes = {}
        waited = set()
        for s in range(_NSTAGE):
            for c in gathers[s]:
                c.wait()
            writes[s] = fire_write(s)
            nxt = s + FA
            if nxt < _NSTAGE:
                if nxt >= NBUF:
                    writes[nxt - NBUF].wait()
                    waited.add(nxt - NBUF)
                gathers[nxt] = fire_gather(nxt)
        for s in range(_NSTAGE):
            if s not in waited:
                writes[s].wait()

    return gather3


BLK = 8192


def _proj_body(xg_ref, xb_ref, xp_ref, wp_ref, bp_ref, wf_ref, bf_ref, o_ref):
    h = jnp.dot(xg_ref[...], wp_ref[0:EMB, :], preferred_element_type=jnp.float32)
    h = h + jnp.dot(xb_ref[...], wp_ref[EMB : 2 * EMB, :], preferred_element_type=jnp.float32)
    h = h + jnp.dot(xp_ref[...], wp_ref[2 * EMB : 3 * EMB, :], preferred_element_type=jnp.float32)
    h = h + bp_ref[...]
    ot = lax.dot_general(
        wf_ref[...], h, (((0,), (1,)), ((), ())),
        preferred_element_type=jnp.float32,
    )
    o_ref[...] = ot + bf_ref[...]


def _proj(xg, xb, xp, W_proj, b_proj, W_fc, b_fc):
    return pl.pallas_call(
        _proj_body,
        grid=(B // BLK,),
        in_specs=[
            pl.BlockSpec((BLK, EMB), lambda i: (i, 0)),
            pl.BlockSpec((BLK, EMB), lambda i: (i, 0)),
            pl.BlockSpec((BLK, EMB), lambda i: (i, 0)),
            pl.BlockSpec((3 * EMB, EMB), lambda i: (0, 0)),
            pl.BlockSpec((1, EMB), lambda i: (0, 0)),
            pl.BlockSpec((EMB, LAT), lambda i: (0, 0)),
            pl.BlockSpec((LAT, 1), lambda i: (0, 0)),
        ],
        out_specs=pl.BlockSpec((LAT, BLK), lambda i: (0, i)),
        out_shape=jax.ShapeDtypeStruct((LAT, B), jnp.float32),
    )(xg, xb, xp, W_proj, b_proj.reshape(1, EMB), W_fc, b_fc.reshape(LAT, 1))


def kernel(gains, bws, pms, gain_table, bw_table, pm_table, W_proj, b_proj, W_fc, b_fc):
    g = gains.astype(jnp.int32)
    bw = bws.astype(jnp.int32)
    pm = pms.astype(jnp.int32)
    xg, xb, xp = _make_gather3()(g, bw, pm, gain_table, bw_table, pm_table)
    outT = _proj(xg, xb, xp, W_proj, b_proj, W_fc, b_fc)
    return outT.T

# --- scband reference (transcript-rebuilt; emitter-appended) ---
"""Pipeline reference for scband-spec-embedder-17867063951405 (READ-ONLY COPY).

The authoritative reference and input builder live on the scoring server;
editing this copy changes nothing except your own understanding.
"""

import jax, jax.numpy as jnp
import numpy as np

B = 16384
V_GAIN = 100000
V_BW = 100000
V_PM = 100000
EMB = 128
LAT = 64


def setup_inputs(seed: int = 0) -> dict:
    key = jax.random.key(seed)
    ks = jax.random.split(key, 10)
    gains = jax.random.randint(ks[0], (B,), 0, V_GAIN)
    bws = jax.random.randint(ks[1], (B,), 0, V_BW)
    pms = jax.random.randint(ks[2], (B,), 0, V_PM)
    gain_table = jax.random.normal(ks[3], (V_GAIN, EMB), dtype=jnp.float32) * 0.02
    bw_table = jax.random.normal(ks[4], (V_BW, EMB), dtype=jnp.float32) * 0.02
    pm_table = jax.random.normal(ks[5], (V_PM, EMB), dtype=jnp.float32) * 0.02
    W_proj = jax.random.normal(ks[6], (EMB * 3, EMB), dtype=jnp.float32) * 0.02
    b_proj = jnp.zeros((EMB,), dtype=jnp.float32)
    W_fc = jax.random.normal(ks[7], (EMB, LAT), dtype=jnp.float32) * 0.02
    b_fc = jnp.zeros((LAT,), dtype=jnp.float32)
    return {
        "gains": gains,
        "bws": bws,
        "pms": pms,
        "gain_table": gain_table,
        "bw_table": bw_table,
        "pm_table": pm_table,
        "W_proj": W_proj,
        "b_proj": b_proj,
        "W_fc": W_fc,
        "b_fc": b_fc,
    }


def reference(gains, bws, pms, gain_table, bw_table, pm_table, W_proj, b_proj, W_fc, b_fc):
    gain_embs = jnp.take(gain_table, gains, axis=0)
    bw_embs = jnp.take(bw_table, bws, axis=0)
    pm_embs = jnp.take(pm_table, pms, axis=0)
    conditions = jnp.concatenate([gain_embs, bw_embs, pm_embs], axis=-1)
    conditions = conditions @ W_proj + b_proj
    spec_embs = conditions @ W_fc + b_fc
    return spec_embs

if __name__ == "__main__":
    import jax
    _d = setup_inputs()
    print(jax.jit(kernel)(*tuple(_d.values())))

</pallas_src>

<mosaic_0001>
#map = affine_map<(d0, d1) -> (0)>
#map1 = affine_map<(d0, d1) -> (0, 0)>
module attributes {stable_mosaic.version = 14 : i64} {
  func.func @gather3(%arg0: i32, %arg1: i32, %arg2: memref<16384xi32, #tpu.memory_space<hbm>>, %arg3: memref<16384xi32, #tpu.memory_space<hbm>>, %arg4: memref<16384xi32, #tpu.memory_space<hbm>>, %arg5: memref<100000x128xf32, #tpu.memory_space<hbm>>, %arg6: memref<100000x128xf32, #tpu.memory_space<hbm>>, %arg7: memref<100000x128xf32, #tpu.memory_space<hbm>>, %arg8: memref<16384x128xf32, #tpu.memory_space<hbm>>, %arg9: memref<16384x128xf32, #tpu.memory_space<hbm>>, %arg10: memref<16384x128xf32, #tpu.memory_space<hbm>>, %arg11: memref<512xi32, #tpu.memory_space<vmem>>, %arg12: memref<512xi32, #tpu.memory_space<vmem>>, %arg13: memref<512xi32, #tpu.memory_space<vmem>>, %arg14: memref<256x128xf32, #tpu.memory_space<vmem>>, %arg15: memref<256x128xf32, #tpu.memory_space<vmem>>, %arg16: memref<256x128xf32, #tpu.memory_space<vmem>>, %arg17: memref<!tpu.dma_semaphore, #tpu.memory_space<semaphore_mem>>, %arg18: memref<!tpu.dma_semaphore, #tpu.memory_space<semaphore_mem>>, %arg19: memref<!tpu.dma_semaphore, #tpu.memory_space<semaphore_mem>>) attributes {dimension_semantics = [#tpu.dimension_semantics<core_parallel>, #tpu.dimension_semantics<subcore_parallel>], iteration_bounds = array<i64: 2, 16>, scalar_prefetch = 0 : i64, scratch_operands = 9 : i64, tpu.core_type = #tpu.core_type<sc_vector_subcore>, window_params = [{transform_indices = #map}, {transform_indices = #map}, {transform_indices = #map}, {transform_indices = #map1}, {transform_indices = #map1}, {transform_indices = #map1}, {transform_indices = #map1}, {transform_indices = #map1}, {transform_indices = #map1}]} {
    %mul3A = arith.constant 2 : i32
    %mul3A_0 = arith.muli %arg1, %mul3A : i32
    %add3A = arith.addi %mul3A_0, %arg0 : i32
    %mul3A_1 = arith.constant 512 : i32
    %mul3A_2 = arith.muli %add3A, %mul3A_1 : i32
    %dma_start3A = tpu.memref_slice %arg2[%mul3A_2] : memref<16384xi32, #tpu.memory_space<hbm>> -> memref<512xi32, #tpu.memory_space<hbm>>
    %dma_start3A_3 = tpu.memref_slice %arg2[%mul3A_2] : memref<16384xi32, #tpu.memory_space<hbm>> -> memref<512xi32, #tpu.memory_space<hbm>>
    tpu.enqueue_dma source(%dma_start3A_3 : memref<512xi32, #tpu.memory_space<hbm>>) target(%arg11 : memref<512xi32, #tpu.memory_space<vmem>>) target_semaphore(%arg17 : memref<!tpu.dma_semaphore, #tpu.memory_space<semaphore_mem>>)
    %dma_start3A_4 = tpu.memref_slice %arg3[%mul3A_2] : memref<16384xi32, #tpu.memory_space<hbm>> -> memref<512xi32, #tpu.memory_space<hbm>>
    %dma_start3A_5 = tpu.memref_slice %arg3[%mul3A_2] : memref<16384xi32, #tpu.memory_space<hbm>> -> memref<512xi32, #tpu.memory_space<hbm>>
    tpu.enqueue_dma source(%dma_start3A_5 : memref<512xi32, #tpu.memory_space<hbm>>) target(%arg12 : memref<512xi32, #tpu.memory_space<vmem>>) target_semaphore(%arg17 : memref<!tpu.dma_semaphore, #tpu.memory_space<semaphore_mem>>)
    %dma_start3A_6 = tpu.memref_slice %arg4[%mul3A_2] : memref<16384xi32, #tpu.memory_space<hbm>> -> memref<512xi32, #tpu.memory_space<hbm>>
    %dma_start3A_7 = tpu.memref_slice %arg4[%mul3A_2] : memref<16384xi32, #tpu.memory_space<hbm>> -> memref<512xi32, #tpu.memory_space<hbm>>
    tpu.enqueue_dma source(%dma_start3A_7 : memref<512xi32, #tpu.memory_space<hbm>>) target(%arg13 : memref<512xi32, #tpu.memory_space<vmem>>) target_semaphore(%arg17 : memref<!tpu.dma_semaphore, #tpu.memory_space<semaphore_mem>>)
    %dma_wait3A = tpu.memref_slice %arg2[%mul3A_2] : memref<16384xi32, #tpu.memory_space<hbm>> -> memref<512xi32, #tpu.memory_space<hbm>>
    %dma_wait3A_8 = tpu.memref_slice %arg2[%mul3A_2] : memref<16384xi32, #tpu.memory_space<hbm>> -> memref<512xi32, #tpu.memory_space<hbm>>
    tpu.wait_dma2 semaphore(%arg17 : memref<!tpu.dma_semaphore, #tpu.memory_space<semaphore_mem>>) src(%dma_wait3A_8 : memref<512xi32, #tpu.memory_space<hbm>>) dst(%arg11 : memref<512xi32, #tpu.memory_space<vmem>>)
    %dma_start3A_9 = arith.constant 0 : i32
    %dma_start3A_10 = arith.constant 0 : i32
    %dma_start3A_11 = tpu.memref_slice %arg14[%dma_start3A_9, %dma_start3A_10] : memref<256x128xf32, #tpu.memory_space<vmem>> -> memref<128x128xf32, #tpu.memory_space<vmem>>
    %dma_start3A_12 = arith.constant 0 : i32
    %dma_start3A_13 = tpu.memref_slice %arg11[%dma_start3A_12] : memref<512xi32, #tpu.memory_space<vmem>> -> memref<128xi32, #tpu.memory_space<vmem>>
    %dma_start3A_14 = arith.constant 0 : i32
    %dma_start3A_15 = arith.constant 0 : i32
    %dma_start3A_16 = tpu.memref_slice %arg5[%dma_start3A_14, %dma_start3A_15] : memref<100000x128xf32, #tpu.memory_space<hbm>> -> memref<100000x128xf32, #tpu.memory_space<hbm>>
    tpu.enqueue_indirect_dma source(%dma_start3A_16 : memref<100000x128xf32, #tpu.memory_space<hbm>>) target(%dma_start3A_11 : memref<128x128xf32, #tpu.memory_space<vmem>>) offsets(%dma_start3A_13 : memref<128xi32, #tpu.memory_space<vmem>>) semaphore(%arg18 : memref<!tpu.dma_semaphore, #tpu.memory_space<semaphore_mem>>)
    %dma_start3A_17 = arith.constant 128 : i32
    %dma_start3A_18 = arith.constant 0 : i32
    %dma_start3A_19 = tpu.memref_slice %arg14[%dma_start3A_17, %dma_start3A_18] : memref<256x128xf32, #tpu.memory_space<vmem>> -> memref<128x128xf32, #tpu.memory_space<vmem>>
    %dma_start3A_20 = arith.constant 128 : i32
    %dma_start3A_21 = tpu.memref_slice %arg11[%dma_start3A_20] : memref<512xi32, #tpu.memory_space<vmem>> -> memref<128xi32, #tpu.memory_space<vmem>>
    %dma_start3A_22 = arith.constant 0 : i32
    %dma_start3A_23 = arith.constant 0 : i32
    %dma_start3A_24 = tpu.memref_slice %arg5[%dma_start3A_22, %dma_start3A_23] : memref<100000x128xf32, #tpu.memory_space<hbm>> -> memref<100000x128xf32, #tpu.memory_space<hbm>>
    tpu.enqueue_indirect_dma source(%dma_start3A_24 : memref<100000x128xf32, #tpu.memory_space<hbm>>) target(%dma_start3A_19 : memref<128x128xf32, #tpu.memory_space<vmem>>) offsets(%dma_start3A_21 : memref<128xi32, #tpu.memory_space<vmem>>) semaphore(%arg18 : memref<!tpu.dma_semaphore, #tpu.memory_space<semaphore_mem>>)
    %dma_start3A_25 = arith.constant 0 : i32
    %dma_start3A_26 = arith.constant 0 : i32
    %dma_start3A_27 = tpu.memref_slice %arg15[%dma_start3A_25, %dma_start3A_26] : memref<256x128xf32, #tpu.memory_space<vmem>> -> memref<128x128xf32, #tpu.memory_space<vmem>>
    %dma_start3A_28 = arith.constant 256 : i32
    %dma_start3A_29 = tpu.memref_slice %arg11[%dma_start3A_28] : memref<512xi32, #tpu.memory_space<vmem>> -> memref<128xi32, #tpu.memory_space<vmem>>
    %dma_start3A_30 = arith.constant 0 : i32
    %dma_start3A_31 = arith.constant 0 : i32
    %dma_start3A_32 = tpu.memref_slice %arg5[%dma_start3A_30, %dma_start3A_31] : memref<100000x128xf32, #tpu.memory_space<hbm>> -> memref<100000x128xf32, #tpu.memory_space<hbm>>
    tpu.enqueue_indirect_dma source(%dma_start3A_32 : memref<100000x128xf32, #tpu.memory_space<hbm>>) target(%dma_start3A_27 : memref<128x128xf32, #tpu.memory_space<vmem>>) offsets(%dma_start3A_29 : memref<128xi32, #tpu.memory_space<vmem>>) semaphore(%arg18 : memref<!tpu.dma_semaphore, #tpu.memory_space<semaphore_mem>>)
    %dma_start3A_33 = arith.constant 128 : i32
    %dma_start3A_34 = arith.constant 0 : i32
    %dma_start3A_35 = tpu.memref_slice %arg15[%dma_start3A_33, %dma_start3A_34] : memref<256x128xf32, #tpu.memory_space<vmem>> -> memref<128x128xf32, #tpu.memory_space<vmem>>
    %dma_start3A_36 = arith.constant 384 : i32
    %dma_start3A_37 = tpu.memref_slice %arg11[%dma_start3A_36] : memref<512xi32, #tpu.memory_space<vmem>> -> memref<128xi32, #tpu.memory_space<vmem>>
    %dma_start3A_38 = arith.constant 0 : i32
    %dma_start3A_39 = arith.constant 0 : i32
    %dma_start3A_40 = tpu.memref_slice %arg5[%dma_start3A_38, %dma_start3A_39] : memref<100000x128xf32, #tpu.memory_space<hbm>> -> memref<100000x128xf32, #tpu.memory_space<hbm>>
    tpu.enqueue_indirect_dma source(%dma_start3A_40 : memref<100000x128xf32, #tpu.memory_space<hbm>>) target(%dma_start3A_35 : memref<128x128xf32, #tpu.memory_space<vmem>>) offsets(%dma_start3A_37 : memref<128xi32, #tpu.memory_space<vmem>>) semaphore(%arg18 : memref<!tpu.dma_semaphore, #tpu.memory_space<semaphore_mem>>)
    %dma_wait3A_41 = arith.constant 0 : i32
    %dma_wait3A_42 = arith.constant 0 : i32
    %dma_wait3A_43 = tpu.memref_slice %arg14[%dma_wait3A_41, %dma_wait3A_42] : memref<256x128xf32, #tpu.memory_space<vmem>> -> memref<128x128xf32, #tpu.memory_space<vmem>>
    %dma_wait3A_44 = arith.constant 0 : i32
    %dma_wait3A_45 = tpu.memref_slice %arg11[%dma_wait3A_44] : memref<512xi32, #tpu.memory_space<vmem>> -> memref<128xi32, #tpu.memory_space<vmem>>
    %dma_wait3A_46 = arith.constant 0 : i32
    %dma_wait3A_47 = arith.constant 0 : i32
    %dma_wait3A_48 = tpu.memref_slice %arg5[%dma_wait3A_46, %dma_wait3A_47] : memref<100000x128xf32, #tpu.memory_space<hbm>> -> memref<100000x128xf32, #tpu.memory_space<hbm>>
    tpu.wait_indirect_dma semaphore(%arg18 : memref<!tpu.dma_semaphore, #tpu.memory_space<semaphore_mem>>) src(%dma_wait3A_48 : memref<100000x128xf32, #tpu.memory_space<hbm>>) dst(%dma_wait3A_43 : memref<128x128xf32, #tpu.memory_space<vmem>>)
    %dma_wait3A_49 = arith.constant 128 : i32
    %dma_wait3A_50 = arith.constant 0 : i32
    %dma_wait3A_51 = tpu.memref_slice %arg14[%dma_wait3A_49, %dma_wait3A_50] : memref<256x128xf32, #tpu.memory_space<vmem>> -> memref<128x128xf32, #tpu.memory_space<vmem>>
    %dma_wait3A_52 = arith.constant 128 : i32
    %dma_wait3A_53 = tpu.memref_slice %arg11[%dma_wait3A_52] : memref<512xi32, #tpu.memory_space<vmem>> -> memref<128xi32, #tpu.memory_space<vmem>>
    %dma_wait3A_54 = arith.constant 0 : i32
    %dma_wait3A_55 = arith.constant 0 : i32
    %dma_wait3A_56 = tpu.memref_slice %arg5[%dma_wait3A_54, %dma_wait3A_55] : memref<100000x128xf32, #tpu.memory_space<hbm>> -> memref<100000x128xf32, #tpu.memory_space<hbm>>
    tpu.wait_indirect_dma semaphore(%arg18 : memref<!tpu.dma_semaphore, #tpu.memory_space<semaphore_mem>>) src(%dma_wait3A_56 : memref<100000x128xf32, #tpu.memory_space<hbm>>) dst(%dma_wait3A_51 : memref<128x128xf32, #tpu.memory_space<vmem>>)
    %add3A_57 = arith.constant 0 : i32
    %add3A_58 = arith.addi %mul3A_2, %add3A_57 : i32
    %dma_start3A_59 = arith.constant 0 : i32
    %dma_start3A_60 = tpu.memref_slice %arg8[%add3A_58, %dma_start3A_59] : memref<16384x128xf32, #tpu.memory_space<hbm>> -> memref<256x128xf32, #tpu.memory_space<hbm>>
    %dma_start3A_61 = arith.constant 0 : i32
    %dma_start3A_62 = tpu.memref_slice %arg8[%add3A_58, %dma_start3A_61] : memref<16384x128xf32, #tpu.memory_space<hbm>> -> memref<256x128xf32, #tpu.memory_space<hbm>>
    tpu.enqueue_dma source(%arg14 : memref<256x128xf32, #tpu.memory_space<vmem>>) target(%dma_start3A_62 : memref<256x128xf32, #tpu.memory_space<hbm>>) target_semaphore(%arg19 : memref<!tpu.dma_semaphore, #tpu.memory_space<semaphore_mem>>)
    %dma_wait3A_63 = tpu.memref_slice %arg3[%mul3A_2] : memref<16384xi32, #tpu.memory_space<hbm>> -> memref<512xi32, #tpu.memory_space<hbm>>
    %dma_wait3A_64 = tpu.memref_slice %arg3[%mul3A_2] : memref<16384xi32, #tpu.memory_space<hbm>> -> memref<512xi32, #tpu.memory_space<hbm>>
    tpu.wait_dma2 semaphore(%arg17 : memref<!tpu.dma_semaphore, #tpu.memory_space<semaphore_mem>>) src(%dma_wait3A_64 : memref<512xi32, #tpu.memory_space<hbm>>) dst(%arg12 : memref<512xi32, #tpu.memory_space<vmem>>)
    %dma_start3A_65 = arith.constant 0 : i32
    %dma_start3A_66 = arith.constant 0 : i32
    %dma_start3A_67 = tpu.memref_slice %arg16[%dma_start3A_65, %dma_start3A_66] : memref<256x128xf32, #tpu.memory_space<vmem>> -> memref<128x128xf32, #tpu.memory_space<vmem>>
    %dma_start3A_68 = arith.constant 0 : i32
    %dma_start3A_69 = tpu.memref_slice %arg12[%dma_start3A_68] : memref<512xi32, #tpu.memory_space<vmem>> -> memref<128xi32, #tpu.memory_space<vmem>>
    %dma_start3A_70 = arith.constant 0 : i32
    %dma_start3A_71 = arith.constant 0 : i32
    %dma_start3A_72 = tpu.memref_slice %arg6[%dma_start3A_70, %dma_start3A_71] : memref<100000x128xf32, #tpu.memory_space<hbm>> -> memref<100000x128xf32, #tpu.memory_space<hbm>>
    tpu.enqueue_indirect_dma source(%dma_start3A_72 : memref<100000x128xf32, #tpu.memory_space<hbm>>) target(%dma_start3A_67 : memref<128x128xf32, #tpu.memory_space<vmem>>) offsets(%dma_start3A_69 : memref<128xi32, #tpu.memory_space<vmem>>) semaphore(%arg18 : memref<!tpu.dma_semaphore, #tpu.memory_space<semaphore_mem>>)
    %dma_start3A_73 = arith.constant 128 : i32
    %dma_start3A_74 = arith.constant 0 : i32
    %dma_start3A_75 = tpu.memref_slice %arg16[%dma_start3A_73, %dma_start3A_74] : memref<256x128xf32, #tpu.memory_space<vmem>> -> memref<128x128xf32, #tpu.memory_space<vmem>>
    %dma_start3A_76 = arith.constant 128 : i32
    %dma_start3A_77 = tpu.memref_slice %arg12[%dma_start3A_76] : memref<512xi32, #tpu.memory_space<vmem>> -> memref<128xi32, #tpu.memory_space<vmem>>
    %dma_start3A_78 = arith.constant 0 : i32
    %dma_start3A_79 = arith.constant 0 : i32
    %dma_start3A_80 = tpu.memref_slice %arg6[%dma_start3A_78, %dma_start3A_79] : memref<100000x128xf32, #tpu.memory_space<hbm>> -> memref<100000x128xf32, #tpu.memory_space<hbm>>
    tpu.enqueue_indirect_dma source(%dma_start3A_80 : memref<100000x128xf32, #tpu.memory_space<hbm>>) target(%dma_start3A_75 : memref<128x128xf32, #tpu.memory_space<vmem>>) offsets(%dma_start3A_77 : memref<128xi32, #tpu.memory_space<vmem>>) semaphore(%arg18 : memref<!tpu.dma_semaphore, #tpu.memory_space<semaphore_mem>>)
    %dma_wait3A_81 = arith.constant 0 : i32
    %dma_wait3A_82 = arith.constant 0 : i32
    %dma_wait3A_83 = tpu.memref_slice %arg15[%dma_wait3A_81, %dma_wait3A_82] : memref<256x128xf32, #tpu.memory_space<vmem>> -> memref<128x128xf32, #tpu.memory_space<vmem>>
    %dma_wait3A_84 = arith.constant 256 : i32
    %dma_wait3A_85 = tpu.memref_slice %arg11[%dma_wait3A_84] : memref<512xi32, #tpu.memory_space<vmem>> -> memref<128xi32, #tpu.memory_space<vmem>>
    %dma_wait3A_86 = arith.constant 0 : i32
    %dma_wait3A_87 = arith.constant 0 : i32
    %dma_wait3A_88 = tpu.memref_slice %arg5[%dma_wait3A_86, %dma_wait3A_87] : memref<100000x128xf32, #tpu.memory_space<hbm>> -> memref<100000x128xf32, #tpu.memory_space<hbm>>
    tpu.wait_indirect_dma semaphore(%arg18 : memref<!tpu.dma_semaphore, #tpu.memory_space<semaphore_mem>>) src(%dma_wait3A_88 : memref<100000x128xf32, #tpu.memory_space<hbm>>) dst(%dma_wait3A_83 : memref<128x128xf32, #tpu.memory_space<vmem>>)
    %dma_wait3A_89 = arith.constant 128 : i32
    %dma_wait3A_90 = arith.constant 0 : i32
    %dma_wait3A_91 = tpu.memref_slice %arg15[%dma_wait3A_89, %dma_wait3A_90] : memref<256x128xf32, #tpu.memory_space<vmem>> -> memref<128x128xf32, #tpu.memory_space<vmem>>
    %dma_wait3A_92 = arith.constant 384 : i32
    %dma_wait3A_93 = tpu.memref_slice %arg11[%dma_wait3A_92] : memref<512xi32, #tpu.memory_space<vmem>> -> memref<128xi32, #tpu.memory_space<vmem>>
    %dma_wait3A_94 = arith.constant 0 : i32
    %dma_wait3A_95 = arith.constant 0 : i32
    %dma_wait3A_96 = tpu.memref_slice %arg5[%dma_wait3A_94, %dma_wait3A_95] : memref<100000x128xf32, #tpu.memory_space<hbm>> -> memref<100000x128xf32, #tpu.memory_space<hbm>>
    tpu.wait_indirect_dma semaphore(%arg18 : memref<!tpu.dma_semaphore, #tpu.memory_space<semaphore_mem>>) src(%dma_wait3A_96 : memref<100000x128xf32, #tpu.memory_space<hbm>>) dst(%dma_wait3A_91 : memref<128x128xf32, #tpu.memory_space<vmem>>)
    %add3A_97 = arith.constant 256 : i32
    %add3A_98 = arith.addi %mul3A_2, %add3A_97 : i32
    %dma_start3A_99 = arith.constant 0 : i32
    %dma_start3A_100 = tpu.memref_slice %arg8[%add3A_98, %dma_start3A_99] : memref<16384x128xf32, #tpu.memory_space<hbm>> -> memref<256x128xf32, #tpu.memory_space<hbm>>
    %dma_start3A_101 = arith.constant 0 : i32
    %dma_start3A_102 = tpu.memref_slice %arg8[%add3A_98, %dma_start3A_101] : memref<16384x128xf32, #tpu.memory_space<hbm>> -> memref<256x128xf32, #tpu.memory_space<hbm>>
    tpu.enqueue_dma source(%arg15 : memref<256x128xf32, #tpu.memory_space<vmem>>) target(%dma_start3A_102 : memref<256x128xf32, #tpu.memory_space<hbm>>) target_semaphore(%arg19 : memref<!tpu.dma_semaphore, #tpu.memory_space<semaphore_mem>>)
    %dma_wait3A_103 = arith.constant 0 : i32
    %dma_wait3A_104 = tpu.memref_slice %arg8[%add3A_58, %dma_wait3A_103] : memref<16384x128xf32, #tpu.memory_space<hbm>> -> memref<256x128xf32, #tpu.memory_space<hbm>>
    %dma_wait3A_105 = arith.constant 0 : i32
    %dma_wait3A_106 = tpu.memref_slice %arg8[%add3A_58, %dma_wait3A_105] : memref<16384x128xf32, #tpu.memory_space<hbm>> -> memref<256x128xf32, #tpu.memory_space<hbm>>
    tpu.wait_dma2 semaphore(%arg19 : memref<!tpu.dma_semaphore, #tpu.memory_space<semaphore_mem>>) src(%arg14 : memref<256x128xf32, #tpu.memory_space<vmem>>) dst(%dma_wait3A_106 : memref<256x128xf32, #tpu.memory_space<hbm>>)
    %dma_start3A_107 = arith.constant 0 : i32
    %dma_start3A_108 = arith.constant 0 : i32
    %dma_start3A_109 = tpu.memref_slice %arg14[%dma_start3A_107, %dma_start3A_108] : memref<256x128xf32, #tpu.memory_space<vmem>> -> memref<128x128xf32, #tpu.memory_space<vmem>>
    %dma_start3A_110 = arith.constant 256 : i32
    %dma_start3A_111 = tpu.memref_slice %arg12[%dma_start3A_110] : memref<512xi32, #tpu.memory_space<vmem>> -> memref<128xi32, #tpu.memory_space<vmem>>
    %dma_start3A_112 = arith.constant 0 : i32
    %dma_start3A_113 = arith.constant 0 : i32
    %dma_start3A_114 = tpu.memref_slice %arg6[%dma_start3A_112, %dma_start3A_113] : memref<100000x128xf32, #tpu.memory_space<hbm>> -> memref<100000x128xf32, #tpu.memory_space<hbm>>
    tpu.enqueue_indirect_dma source(%dma_start3A_114 : memref<100000x128xf32, #tpu.memory_space<hbm>>) target(%dma_start3A_109 : memref<128x128xf32, #tpu.memory_space<vmem>>) offsets(%dma_start3A_111 : memref<128xi32, #tpu.memory_space<vmem>>) semaphore(%arg18 : memref<!tpu.dma_semaphore, #tpu.memory_space<semaphore_mem>>)
    %dma_start3A_115 = arith.constant 128 : i32
    %dma_start3A_116 = arith.constant 0 : i32
    %dma_start3A_117 = tpu.memref_slice %arg14[%dma_start3A_115, %dma_start3A_116] : memref<256x128xf32, #tpu.memory_space<vmem>> -> memref<128x128xf32, #tpu.memory_space<vmem>>
    %dma_start3A_118 = arith.constant 384 : i32
    %dma_start3A_119 = tpu.memref_slice %arg12[%dma_start3A_118] : memref<512xi32, #tpu.memory_space<vmem>> -> memref<128xi32, #tpu.memory_space<vmem>>
    %dma_start3A_120 = arith.constant 0 : i32
    %dma_start3A_121 = arith.constant 0 : i32
    %dma_start3A_122 = tpu.memref_slice %arg6[%dma_start3A_120, %dma_start3A_121] : memref<100000x128xf32, #tpu.memory_space<hbm>> -> memref<100000x128xf32, #tpu.memory_space<hbm>>
    tpu.enqueue_indirect_dma source(%dma_start3A_122 : memref<100000x128xf32, #tpu.memory_space<hbm>>) target(%dma_start3A_117 : memref<128x128xf32, #tpu.memory_space<vmem>>) offsets(%dma_start3A_119 : memref<128xi32, #tpu.memory_space<vmem>>) semaphore(%arg18 : memref<!tpu.dma_semaphore, #tpu.memory_space<semaphore_mem>>)
    %dma_wait3A_123 = arith.constant 0 : i32
    %dma_wait3A_124 = arith.constant 0 : i32
    %dma_wait3A_125 = tpu.memref_slice %arg16[%dma_wait3A_123, %dma_wait3A_124] : memref<256x128xf32, #tpu.memory_space<vmem>> -> memref<128x128xf32, #tpu.memory_space<vmem>>
    %dma_wait3A_126 = arith.constant 0 : i32
    %dma_wait3A_127 = tpu.memref_slice %arg12[%dma_wait3A_126] : memref<512xi32, #tpu.memory_space<vmem>> -> memref<128xi32, #tpu.memory_space<vmem>>
    %dma_wait3A_128 = arith.constant 0 : i32
    %dma_wait3A_129 = arith.constant 0 : i32
    %dma_wait3A_130 = tpu.memref_slice %arg6[%dma_wait3A_128, %dma_wait3A_129] : memref<100000x128xf32, #tpu.memory_space<hbm>> -> memref<100000x128xf32, #tpu.memory_space<hbm>>
    tpu.wait_indirect_dma semaphore(%arg18 : memref<!tpu.dma_semaphore, #tpu.memory_space<semaphore_mem>>) src(%dma_wait3A_130 : memref<100000x128xf32, #tpu.memory_space<hbm>>) dst(%dma_wait3A_125 : memref<128x128xf32, #tpu.memory_space<vmem>>)
    %dma_wait3A_131 = arith.constant 128 : i32
    %dma_wait3A_132 = arith.constant 0 : i32
    %dma_wait3A_133 = tpu.memref_slice %arg16[%dma_wait3A_131, %dma_wait3A_132] : memref<256x128xf32, #tpu.memory_space<vmem>> -> memref<128x128xf32, #tpu.memory_space<vmem>>
    %dma_wait3A_134 = arith.constant 128 : i32
    %dma_wait3A_135 = tpu.memref_slice %arg12[%dma_wait3A_134] : memref<512xi32, #tpu.memory_space<vmem>> -> memref<128xi32, #tpu.memory_space<vmem>>
    %dma_wait3A_136 = arith.constant 0 : i32
    %dma_wait3A_137 = arith.constant 0 : i32
    %dma_wait3A_138 = tpu.memref_slice %arg6[%dma_wait3A_136, %dma_wait3A_137] : memref<100000x128xf32, #tpu.memory_space<hbm>> -> memref<100000x128xf32, #tpu.memory_space<hbm>>
    tpu.wait_indirect_dma semaphore(%arg18 : memref<!tpu.dma_semaphore, #tpu.memory_space<semaphore_mem>>) src(%dma_wait3A_138 : memref<100000x128xf32, #tpu.memory_space<hbm>>) dst(%dma_wait3A_133 : memref<128x128xf32, #tpu.memory_space<vmem>>)
    %add3A_139 = arith.constant 0 : i32
    %add3A_140 = arith.addi %mul3A_2, %add3A_139 : i32
    %dma_start3A_141 = arith.constant 0 : i32
    %dma_start3A_142 = tpu.memref_slice %arg9[%add3A_140, %dma_start3A_141] : memref<16384x128xf32, #tpu.memory_space<hbm>> -> memref<256x128xf32, #tpu.memory_space<hbm>>
    %dma_start3A_143 = arith.constant 0 : i32
    %dma_start3A_144 = tpu.memref_slice %arg9[%add3A_140, %dma_start3A_143] : memref<16384x128xf32, #tpu.memory_space<hbm>> -> memref<256x128xf32, #tpu.memory_space<hbm>>
    tpu.enqueue_dma source(%arg16 : memref<256x128xf32, #tpu.memory_space<vmem>>) target(%dma_start3A_144 : memref<256x128xf32, #tpu.memory_space<hbm>>) target_semaphore(%arg19 : memref<!tpu.dma_semaphore, #tpu.memory_space<semaphore_mem>>)
    %dma_wait3A_145 = arith.constant 0 : i32
    %dma_wait3A_146 = tpu.memref_slice %arg8[%add3A_98, %dma_wait3A_145] : memref<16384x128xf32, #tpu.memory_space<hbm>> -> memref<256x128xf32, #tpu.memory_space<hbm>>
    %dma_wait3A_147 = arith.constant 0 : i32
    %dma_wait3A_148 = tpu.memref_slice %arg8[%add3A_98, %dma_wait3A_147] : memref<16384x128xf32, #tpu.memory_space<hbm>> -> memref<256x128xf32, #tpu.memory_space<hbm>>
    tpu.wait_dma2 semaphore(%arg19 : memref<!tpu.dma_semaphore, #tpu.memory_space<semaphore_mem>>) src(%arg15 : memref<256x128xf32, #tpu.memory_space<vmem>>) dst(%dma_wait3A_148 : memref<256x128xf32, #tpu.memory_space<hbm>>)
    %dma_wait3A_149 = tpu.memref_slice %arg4[%mul3A_2] : memref<16384xi32, #tpu.memory_space<hbm>> -> memref<512xi32, #tpu.memory_space<hbm>>
    %dma_wait3A_150 = tpu.memref_slice %arg4[%mul3A_2] : memref<16384xi32, #tpu.memory_space<hbm>> -> memref<512xi32, #tpu.memory_space<hbm>>
    tpu.wait_dma2 semaphore(%arg17 : memref<!tpu.dma_semaphore, #tpu.memory_space<semaphore_mem>>) src(%dma_wait3A_150 : memref<512xi32, #tpu.memory_space<hbm>>) dst(%arg13 : memref<512xi32, #tpu.memory_space<vmem>>)
    %dma_start3A_151 = arith.constant 0 : i32
    %dma_start3A_152 = arith.constant 0 : i32
    %dma_start3A_153 = tpu.memref_slice %arg15[%dma_start3A_151, %dma_start3A_152] : memref<256x128xf32, #tpu.memory_space<vmem>> -> memref<128x128xf32, #tpu.memory_space<vmem>>
    %dma_start3A_154 = arith.constant 0 : i32
    %dma_start3A_155 = tpu.memref_slice %arg13[%dma_start3A_154] : memref<512xi32, #tpu.memory_space<vmem>> -> memref<128xi32, #tpu.memory_space<vmem>>
    %dma_start3A_156 = arith.constant 0 : i32
    %dma_start3A_157 = arith.constant 0 : i32
    %dma_start3A_158 = tpu.memref_slice %arg7[%dma_start3A_156, %dma_start3A_157] : memref<100000x128xf32, #tpu.memory_space<hbm>> -> memref<100000x128xf32, #tpu.memory_space<hbm>>
    tpu.enqueue_indirect_dma source(%dma_start3A_158 : memref<100000x128xf32, #tpu.memory_space<hbm>>) target(%dma_start3A_153 : memref<128x128xf32, #tpu.memory_space<vmem>>) offsets(%dma_start3A_155 : memref<128xi32, #tpu.memory_space<vmem>>) semaphore(%arg18 : memref<!tpu.dma_semaphore, #tpu.memory_space<semaphore_mem>>)
    %dma_start3A_159 = arith.constant 128 : i32
    %dma_start3A_160 = arith.constant 0 : i32
    %dma_start3A_161 = tpu.memref_slice %arg15[%dma_start3A_159, %dma_start3A_160] : memref<256x128xf32, #tpu.memory_space<vmem>> -> memref<128x128xf32, #tpu.memory_space<vmem>>
    %dma_start3A_162 = arith.constant 128 : i32
    %dma_start3A_163 = tpu.memref_slice %arg13[%dma_start3A_162] : memref<512xi32, #tpu.memory_space<vmem>> -> memref<128xi32, #tpu.memory_space<vmem>>
    %dma_start3A_164 = arith.constant 0 : i32
    %dma_start3A_165 = arith.constant 0 : i32
    %dma_start3A_166 = tpu.memref_slice %arg7[%dma_start3A_164, %dma_start3A_165] : memref<100000x128xf32, #tpu.memory_space<hbm>> -> memref<100000x128xf32, #tpu.memory_space<hbm>>
    tpu.enqueue_indirect_dma source(%dma_start3A_166 : memref<100000x128xf32, #tpu.memory_space<hbm>>) target(%dma_start3A_161 : memref<128x128xf32, #tpu.memory_space<vmem>>) offsets(%dma_start3A_163 : memref<128xi32, #tpu.memory_space<vmem>>) semaphore(%arg18 : memref<!tpu.dma_semaphore, #tpu.memory_space<semaphore_mem>>)
    %dma_wait3A_167 = arith.constant 0 : i32
    %dma_wait3A_168 = arith.constant 0 : i32
    %dma_wait3A_169 = tpu.memref_slice %arg14[%dma_wait3A_167, %dma_wait3A_168] : memref<256x128xf32, #tpu.memory_space<vmem>> -> memref<128x128xf32, #tpu.memory_space<vmem>>
    %dma_wait3A_170 = arith.constant 256 : i32
    %dma_wait3A_171 = tpu.memref_slice %arg12[%dma_wait3A_170] : memref<512xi32, #tpu.memory_space<vmem>> -> memref<128xi32, #tpu.memory_space<vmem>>
    %dma_wait3A_172 = arith.constant 0 : i32
    %dma_wait3A_173 = arith.constant 0 : i32
    %dma_wait3A_174 = tpu.memref_slice %arg6[%dma_wait3A_172, %dma_wait3A_173] : memref<100000x128xf32, #tpu.memory_space<hbm>> -> memref<100000x128xf32, #tpu.memory_space<hbm>>
    tpu.wait_indirect_dma semaphore(%arg18 : memref<!tpu.dma_semaphore, #tpu.memory_space<semaphore_mem>>) src(%dma_wait3A_174 : memref<100000x128xf32, #tpu.memory_space<hbm>>) dst(%dma_wait3A_169 : memref<128x128xf32, #tpu.memory_space<vmem>>)
    %dma_wait3A_175 = arith.constant 128 : i32
    %dma_wait3A_176 = arith.constant 0 : i32
    %dma_wait3A_177 = tpu.memref_slice %arg14[%dma_wait3A_175, %dma_wait3A_176] : memref<256x128xf32, #tpu.memory_space<vmem>> -> memref<128x128xf32, #tpu.memory_space<vmem>>
    %dma_wait3A_178 = arith.constant 384 : i32
    %dma_wait3A_179 = tpu.memref_slice %arg12[%dma_wait3A_178] : memref<512xi32, #tpu.memory_space<vmem>> -> memref<128xi32, #tpu.memory_space<vmem>>
    %dma_wait3A_180 = arith.constant 0 : i32
    %dma_wait3A_181 = arith.constant 0 : i32
    %dma_wait3A_182 = tpu.memref_slice %arg6[%dma_wait3A_180, %dma_wait3A_181] : memref<100000x128xf32, #tpu.memory_space<hbm>> -> memref<100000x128xf32, #tpu.memory_space<hbm>>
    tpu.wait_indirect_dma semaphore(%arg18 : memref<!tpu.dma_semaphore, #tpu.memory_space<semaphore_mem>>) src(%dma_wait3A_182 : memref<100000x128xf32, #tpu.memory_space<hbm>>) dst(%dma_wait3A_177 : memref<128x128xf32, #tpu.memory_space<vmem>>)
    %add3A_183 = arith.constant 256 : i32
    %add3A_184 = arith.addi %mul3A_2, %add3A_183 : i32
    %dma_start3A_185 = arith.constant 0 : i32
    %dma_start3A_186 = tpu.memref_slice %arg9[%add3A_184, %dma_start3A_185] : memref<16384x128xf32, #tpu.memory_space<hbm>> -> memref<256x128xf32, #tpu.memory_space<hbm>>
    %dma_start3A_187 = arith.constant 0 : i32
    %dma_start3A_188 = tpu.memref_slice %arg9[%add3A_184, %dma_start3A_187] : memref<16384x128xf32, #tpu.memory_space<hbm>> -> memref<256x128xf32, #tpu.memory_space<hbm>>
    tpu.enqueue_dma source(%arg14 : memref<256x128xf32, #tpu.memory_space<vmem>>) target(%dma_start3A_188 : memref<256x128xf32, #tpu.memory_space<hbm>>) target_semaphore(%arg19 : memref<!tpu.dma_semaphore, #tpu.memory_space<semaphore_mem>>)
    %dma_wait3A_189 = arith.constant 0 : i32
    %dma_wait3A_190 = tpu.memref_slice %arg9[%add3A_140, %dma_wait3A_189] : memref<16384x128xf32, #tpu.memory_space<hbm>> -> memref<256x128xf32, #tpu.memory_space<hbm>>
    %dma_wait3A_191 = arith.constant 0 : i32
    %dma_wait3A_192 = tpu.memref_slice %arg9[%add3A_140, %dma_wait3A_191] : memref<16384x128xf32, #tpu.memory_space<hbm>> -> memref<256x128xf32, #tpu.memory_space<hbm>>
    tpu.wait_dma2 semaphore(%arg19 : memref<!tpu.dma_semaphore, #tpu.memory_space<semaphore_mem>>) src(%arg16 : memref<256x128xf32, #tpu.memory_space<vmem>>) dst(%dma_wait3A_192 : memref<256x128xf32, #tpu.memory_space<hbm>>)
    %dma_start3A_193 = arith.constant 0 : i32
    %dma_start3A_194 = arith.constant 0 : i32
    %dma_start3A_195 = tpu.memref_slice %arg16[%dma_start3A_193, %dma_start3A_194] : memref<256x128xf32, #tpu.memory_space<vmem>> -> memref<128x128xf32, #tpu.memory_space<vmem>>
    %dma_start3A_196 = arith.constant 256 : i32
    %dma_start3A_197 = tpu.memref_slice %arg13[%dma_start3A_196] : memref<512xi32, #tpu.memory_space<vmem>> -> memref<128xi32, #tpu.memory_space<vmem>>
    %dma_start3A_198 = arith.constant 0 : i32
    %dma_start3A_199 = arith.constant 0 : i32
    %dma_start3A_200 = tpu.memref_slice %arg7[%dma_start3A_198, %dma_start3A_199] : memref<100000x128xf32, #tpu.memory_space<hbm>> -> memref<100000x128xf32, #tpu.memory_space<hbm>>
    tpu.enqueue_indirect_dma source(%dma_start3A_200 : memref<100000x128xf32, #tpu.memory_space<hbm>>) target(%dma_start3A_195 : memref<128x128xf32, #tpu.memory_space<vmem>>) offsets(%dma_start3A_197 : memref<128xi32, #tpu.memory_space<vmem>>) semaphore(%arg18 : memref<!tpu.dma_semaphore, #tpu.memory_space<semaphore_mem>>)
    %dma_start3A_201 = arith.constant 128 : i32
    %dma_start3A_202 = arith.constant 0 : i32
    %dma_start3A_203 = tpu.memref_slice %arg16[%dma_start3A_201, %dma_start3A_202] : memref<256x128xf32, #tpu.memory_space<vmem>> -> memref<128x128xf32, #tpu.memory_space<vmem>>
    %dma_start3A_204 = arith.constant 384 : i32
    %dma_start3A_205 = tpu.memref_slice %arg13[%dma_start3A_204] : memref<512xi32, #tpu.memory_space<vmem>> -> memref<128xi32, #tpu.memory_space<vmem>>
    %dma_start3A_206 = arith.constant 0 : i32
    %dma_start3A_207 = arith.constant 0 : i32
    %dma_start3A_208 = tpu.memref_slice %arg7[%dma_start3A_206, %dma_start3A_207] : memref<100000x128xf32, #tpu.memory_space<hbm>> -> memref<100000x128xf32, #tpu.memory_space<hbm>>
    tpu.enqueue_indirect_dma source(%dma_start3A_208 : memref<100000x128xf32, #tpu.memory_space<hbm>>) target(%dma_start3A_203 : memref<128x128xf32, #tpu.memory_space<vmem>>) offsets(%dma_start3A_205 : memref<128xi32, #tpu.memory_space<vmem>>) semaphore(%arg18 : memref<!tpu.dma_semaphore, #tpu.memory_space<semaphore_mem>>)
    %dma_wait3A_209 = arith.constant 0 : i32
    %dma_wait3A_210 = arith.constant 0 : i32
    %dma_wait3A_211 = tpu.memref_slice %arg15[%dma_wait3A_209, %dma_wait3A_210] : memref<256x128xf32, #tpu.memory_space<vmem>> -> memref<128x128xf32, #tpu.memory_space<vmem>>
    %dma_wait3A_212 = arith.constant 0 : i32
    %dma_wait3A_213 = tpu.memref_slice %arg13[%dma_wait3A_212] : memref<512xi32, #tpu.memory_space<vmem>> -> memref<128xi32, #tpu.memory_space<vmem>>
    %dma_wait3A_214 = arith.constant 0 : i32
    %dma_wait3A_215 = arith.constant 0 : i32
    %dma_wait3A_216 = tpu.memref_slice %arg7[%dma_wait3A_214, %dma_wait3A_215] : memref<100000x128xf32, #tpu.memory_space<hbm>> -> memref<100000x128xf32, #tpu.memory_space<hbm>>
    tpu.wait_indirect_dma semaphore(%arg18 : memref<!tpu.dma_semaphore, #tpu.memory_space<semaphore_mem>>) src(%dma_wait3A_216 : memref<100000x128xf32, #tpu.memory_space<hbm>>) dst(%dma_wait3A_211 : memref<128x128xf32, #tpu.memory_space<vmem>>)
    %dma_wait3A_217 = arith.constant 128 : i32
    %dma_wait3A_218 = arith.constant 0 : i32
    %dma_wait3A_219 = tpu.memref_slice %arg15[%dma_wait3A_217, %dma_wait3A_218] : memref<256x128xf32, #tpu.memory_space<vmem>> -> memref<128x128xf32, #tpu.memory_space<vmem>>
    %dma_wait3A_220 = arith.constant 128 : i32
    %dma_wait3A_221 = tpu.memref_slice %arg13[%dma_wait3A_220] : memref<512xi32, #tpu.memory_space<vmem>> -> memref<128xi32, #tpu.memory_space<vmem>>
    %dma_wait3A_222 = arith.constant 0 : i32
    %dma_wait3A_223 = arith.constant 0 : i32
    %dma_wait3A_224 = tpu.memref_slice %arg7[%dma_wait3A_222, %dma_wait3A_223] : memref<100000x128xf32, #tpu.memory_space<hbm>> -> memref<100000x128xf32, #tpu.memory_space<hbm>>
    tpu.wait_indirect_dma semaphore(%arg18 : memref<!tpu.dma_semaphore, #tpu.memory_space<semaphore_mem>>) src(%dma_wait3A_224 : memref<100000x128xf32, #tpu.memory_space<hbm>>) dst(%dma_wait3A_219 : memref<128x128xf32, #tpu.memory_space<vmem>>)
    %add3A_225 = arith.constant 0 : i32
    %add3A_226 = arith.addi %mul3A_2, %add3A_225 : i32
    %dma_start3A_227 = arith.constant 0 : i32
    %dma_start3A_228 = tpu.memref_slice %arg10[%add3A_226, %dma_start3A_227] : memref<16384x128xf32, #tpu.memory_space<hbm>> -> memref<256x128xf32, #tpu.memory_space<hbm>>
    %dma_start3A_229 = arith.constant 0 : i32
    %dma_start3A_230 = tpu.memref_slice %arg10[%add3A_226, %dma_start3A_229] : memref<16384x128xf32, #tpu.memory_space<hbm>> -> memref<256x128xf32, #tpu.memory_space<hbm>>
    tpu.enqueue_dma source(%arg15 : memref<256x128xf32, #tpu.memory_space<vmem>>) target(%dma_start3A_230 : memref<256x128xf32, #tpu.memory_space<hbm>>) target_semaphore(%arg19 : memref<!tpu.dma_semaphore, #tpu.memory_space<semaphore_mem>>)
    %dma_wait3A_231 = arith.constant 0 : i32
    %dma_wait3A_232 = arith.constant 0 : i32
    %dma_wait3A_233 = tpu.memref_slice %arg16[%dma_wait3A_231, %dma_wait3A_232] : memref<256x128xf32, #tpu.memory_space<vmem>> -> memref<128x128xf32, #tpu.memory_space<vmem>>
    %dma_wait3A_234 = arith.constant 256 : i32
    %dma_wait3A_235 = tpu.memref_slice %arg13[%dma_wait3A_234] : memref<512xi32, #tpu.memory_space<vmem>> -> memref<128xi32, #tpu.memory_space<vmem>>
    %dma_wait3A_236 = arith.constant 0 : i32
    %dma_wait3A_237 = arith.constant 0 : i32
    %dma_wait3A_238 = tpu.memref_slice %arg7[%dma_wait3A_236, %dma_wait3A_237] : memref<100000x128xf32, #tpu.memory_space<hbm>> -> memref<100000x128xf32, #tpu.memory_space<hbm>>
    tpu.wait_indirect_dma semaphore(%arg18 : memref<!tpu.dma_semaphore, #tpu.memory_space<semaphore_mem>>) src(%dma_wait3A_238 : memref<100000x128xf32, #tpu.memory_space<hbm>>) dst(%dma_wait3A_233 : memref<128x128xf32, #tpu.memory_space<vmem>>)
    %dma_wait3A_239 = arith.constant 128 : i32
    %dma_wait3A_240 = arith.constant 0 : i32
    %dma_wait3A_241 = tpu.memref_slice %arg16[%dma_wait3A_239, %dma_wait3A_240] : memref<256x128xf32, #tpu.memory_space<vmem>> -> memref<128x128xf32, #tpu.memory_space<vmem>>
    %dma_wait3A_242 = arith.constant 384 : i32
    %dma_wait3A_243 = tpu.memref_slice %arg13[%dma_wait3A_242] : memref<512xi32, #tpu.memory_space<vmem>> -> memref<128xi32, #tpu.memory_space<vmem>>
    %dma_wait3A_244 = arith.constant 0 : i32
    %dma_wait3A_245 = arith.constant 0 : i32
    %dma_wait3A_246 = tpu.memref_slice %arg7[%dma_wait3A_244, %dma_wait3A_245] : memref<100000x128xf32, #tpu.memory_space<hbm>> -> memref<100000x128xf32, #tpu.memory_space<hbm>>
    tpu.wait_indirect_dma semaphore(%arg18 : memref<!tpu.dma_semaphore, #tpu.memory_space<semaphore_mem>>) src(%dma_wait3A_246 : memref<100000x128xf32, #tpu.memory_space<hbm>>) dst(%dma_wait3A_241 : memref<128x128xf32, #tpu.memory_space<vmem>>)
    %add3A_247 = arith.constant 256 : i32
    %add3A_248 = arith.addi %mul3A_2, %add3A_247 : i32
    %dma_start3A_249 = arith.constant 0 : i32
    %dma_start3A_250 = tpu.memref_slice %arg10[%add3A_248, %dma_start3A_249] : memref<16384x128xf32, #tpu.memory_space<hbm>> -> memref<256x128xf32, #tpu.memory_space<hbm>>
    %dma_start3A_251 = arith.constant 0 : i32
    %dma_start3A_252 = tpu.memref_slice %arg10[%add3A_248, %dma_start3A_251] : memref<16384x128xf32, #tpu.memory_space<hbm>> -> memref<256x128xf32, #tpu.memory_space<hbm>>
    tpu.enqueue_dma source(%arg16 : memref<256x128xf32, #tpu.memory_space<vmem>>) target(%dma_start3A_252 : memref<256x128xf32, #tpu.memory_space<hbm>>) target_semaphore(%arg19 : memref<!tpu.dma_semaphore, #tpu.memory_space<semaphore_mem>>)
    %dma_wait3A_253 = arith.constant 0 : i32
    %dma_wait3A_254 = tpu.memref_slice %arg9[%add3A_184, %dma_wait3A_253] : memref<16384x128xf32, #tpu.memory_space<hbm>> -> memref<256x128xf32, #tpu.memory_space<hbm>>
    %dma_wait3A_255 = arith.constant 0 : i32
    %dma_wait3A_256 = tpu.memref_slice %arg9[%add3A_184, %dma_wait3A_255] : memref<16384x128xf32, #tpu.memory_space<hbm>> -> memref<256x128xf32, #tpu.memory_space<hbm>>
    tpu.wait_dma2 semaphore(%arg19 : memref<!tpu.dma_semaphore, #tpu.memory_space<semaphore_mem>>) src(%arg14 : memref<256x128xf32, #tpu.memory_space<vmem>>) dst(%dma_wait3A_256 : memref<256x128xf32, #tpu.memory_space<hbm>>)
    %dma_wait3A_257 = arith.constant 0 : i32
    %dma_wait3A_258 = tpu.memref_slice %arg10[%add3A_226, %dma_wait3A_257] : memref<16384x128xf32, #tpu.memory_space<hbm>> -> memref<256x128xf32, #tpu.memory_space<hbm>>
    %dma_wait3A_259 = arith.constant 0 : i32
    %dma_wait3A_260 = tpu.memref_slice %arg10[%add3A_226, %dma_wait3A_259] : memref<16384x128xf32, #tpu.memory_space<hbm>> -> memref<256x128xf32, #tpu.memory_space<hbm>>
    tpu.wait_dma2 semaphore(%arg19 : memref<!tpu.dma_semaphore, #tpu.memory_space<semaphore_mem>>) src(%arg15 : memref<256x128xf32, #tpu.memory_space<vmem>>) dst(%dma_wait3A_260 : memref<256x128xf32, #tpu.memory_space<hbm>>)
    %dma_wait3A_261 = arith.constant 0 : i32
    %dma_wait3A_262 = tpu.memref_slice %arg10[%add3A_248, %dma_wait3A_261] : memref<16384x128xf32, #tpu.memory_space<hbm>> -> memref<256x128xf32, #tpu.memory_space<hbm>>
    %dma_wait3A_263 = arith.constant 0 : i32
    %dma_wait3A_264 = tpu.memref_slice %arg10[%add3A_248, %dma_wait3A_263] : memref<16384x128xf32, #tpu.memory_space<hbm>> -> memref<256x128xf32, #tpu.memory_space<hbm>>
    tpu.wait_dma2 semaphore(%arg19 : memref<!tpu.dma_semaphore, #tpu.memory_space<semaphore_mem>>) src(%arg16 : memref<256x128xf32, #tpu.memory_space<vmem>>) dst(%dma_wait3A_264 : memref<256x128xf32, #tpu.memory_space<hbm>>)
    return
  }
}

module attributes {stable_mosaic.version = 14 : i64} {
  func.func @_proj_body(%arg0: i32, %arg1: memref<8192x128xf32, #tpu.memory_space<vmem>>, %arg2: memref<8192x128xf32, #tpu.memory_space<vmem>>, %arg3: memref<8192x128xf32, #tpu.memory_space<vmem>>, %arg4: memref<384x128xf32, #tpu.memory_space<vmem>>, %arg5: memref<1x128xf32, #tpu.memory_space<vmem>>, %arg6: memref<128x64xf32, #tpu.memory_space<vmem>>, %arg7: memref<64x1xf32, #tpu.memory_space<vmem>>, %arg8: memref<64x8192xf32, #tpu.memory_space<vmem>>) attributes {dimension_semantics = [#tpu.dimension_semantics<arbitrary>], iteration_bounds = array<i64: 2>, scalar_prefetch = 0 : i64, scratch_operands = 0 : i64, tpu.core_type = #tpu.core_type<tc>, window_params = [{transform_indices = @transform_0, window_bounds = array<i64: 8192, 128>}, {transform_indices = @transform_1, window_bounds = array<i64: 8192, 128>}, {transform_indices = @transform_2, window_bounds = array<i64: 8192, 128>}, {pipeline_mode = #tpu.pipeline_mode<synchronous>, transform_indices = @transform_3, window_bounds = array<i64: 384, 128>}, {pipeline_mode = #tpu.pipeline_mode<synchronous>, transform_indices = @transform_4, window_bounds = array<i64: 1, 128>}, {pipeline_mode = #tpu.pipeline_mode<synchronous>, transform_indices = @transform_5, window_bounds = array<i64: 128, 64>}, {pipeline_mode = #tpu.pipeline_mode<synchronous>, transform_indices = @transform_6, window_bounds = array<i64: 64, 1>}, {transform_indices = @transform_7, window_bounds = array<i64: 64, 8192>}]} {
    %get3A = arith.constant 0 : index
    %get3A_0 = arith.constant 0 : index
    %get3A_1 = vector.load %arg1[%get3A, %get3A_0] : memref<8192x128xf32, #tpu.memory_space<vmem>>, vector<8192x128xf32>
    %get3A_2 = arith.constant 0 : index
    %get3A_3 = arith.constant 0 : index
    %get3A_4 = vector.load %arg4[%get3A_2, %get3A_3] : memref<384x128xf32, #tpu.memory_space<vmem>>, vector<128x128xf32>
    %dot_general3A = arith.constant dense<0.000000e+00> : vector<8192x128xf32>
    %dot_general3A_5 = tpu.matmul %get3A_1, %get3A_4, %dot_general3A {dimension_numbers = #tpu.dot_dimension_numbers<[1], [0], [0], [1], [0, 0, 1, 1], [], []>, transpose_lhs_hint = false} : vector<8192x128xf32>, vector<128x128xf32>, vector<8192x128xf32> -> vector<8192x128xf32>
    %get3A_6 = arith.constant 0 : index
    %get3A_7 = arith.constant 0 : index
    %get3A_8 = vector.load %arg2[%get3A_6, %get3A_7] : memref<8192x128xf32, #tpu.memory_space<vmem>>, vector<8192x128xf32>
    %get3A_9 = arith.constant 128 : index
    %get3A_10 = arith.constant 0 : index
    %get3A_11 = vector.load %arg4[%get3A_9, %get3A_10] : memref<384x128xf32, #tpu.memory_space<vmem>>, vector<128x128xf32>
    %dot_general3A_12 = arith.constant dense<0.000000e+00> : vector<8192x128xf32>
    %dot_general3A_13 = tpu.matmul %get3A_8, %get3A_11, %dot_general3A_12 {dimension_numbers = #tpu.dot_dimension_numbers<[1], [0], [0], [1], [0, 0, 1, 1], [], []>, transpose_lhs_hint = false} : vector<8192x128xf32>, vector<128x128xf32>, vector<8192x128xf32> -> vector<8192x128xf32>
    %add3A = arith.addf %dot_general3A_5, %dot_general3A_13 : vector<8192x128xf32>
    %get3A_14 = arith.constant 0 : index
    %get3A_15 = arith.constant 0 : index
    %get3A_16 = vector.load %arg3[%get3A_14, %get3A_15] : memref<8192x128xf32, #tpu.memory_space<vmem>>, vector<8192x128xf32>
    %get3A_17 = arith.constant 256 : index
    %get3A_18 = arith.constant 0 : index
    %get3A_19 = vector.load %arg4[%get3A_17, %get3A_18] : memref<384x128xf32, #tpu.memory_space<vmem>>, vector<128x128xf32>
    %dot_general3A_20 = arith.constant dense<0.000000e+00> : vector<8192x128xf32>
    %dot_general3A_21 = tpu.matmul %get3A_16, %get3A_19, %dot_general3A_20 {dimension_numbers = #tpu.dot_dimension_numbers<[1], [0], [0], [1], [0, 0, 1, 1], [], []>, transpose_lhs_hint = false} : vector<8192x128xf32>, vector<128x128xf32>, vector<8192x128xf32> -> vector<8192x128xf32>
    %add3A_22 = arith.addf %add3A, %dot_general3A_21 : vector<8192x128xf32>
    %get3A_23 = arith.constant 0 : index
    %get3A_24 = arith.constant 0 : index
    %get3A_25 = vector.load %arg5[%get3A_23, %get3A_24] : memref<1x128xf32, #tpu.memory_space<vmem>>, vector<1x128xf32>
    %add3A_26 = vector.broadcast %get3A_25 : vector<1x128xf32> to vector<8192x128xf32>
    %add3A_27 = arith.addf %add3A_22, %add3A_26 : vector<8192x128xf32>
    %get3A_28 = arith.constant 0 : index
    %get3A_29 = arith.constant 0 : index
    %get3A_30 = vector.load %arg6[%get3A_28, %get3A_29] : memref<128x64xf32, #tpu.memory_space<vmem>>, vector<128x64xf32>
    %dot_general3A_31 = arith.constant dense<0.000000e+00> : vector<64x8192xf32>
    %dot_general3A_32 = tpu.matmul %get3A_30, %add3A_27, %dot_general3A_31 {dimension_numbers = #tpu.dot_dimension_numbers<[0], [1], [1], [0], [0, 1, 1, 0], [], []>, transpose_lhs_hint = false} : vector<128x64xf32>, vector<8192x128xf32>, vector<64x8192xf32> -> vector<64x8192xf32>
    %get3A_33 = arith.constant 0 : index
    %get3A_34 = arith.constant 0 : index
    %get3A_35 = vector.load %arg7[%get3A_33, %get3A_34] : memref<64x1xf32, #tpu.memory_space<vmem>>, vector<64x1xf32>
    %add3A_36 = vector.broadcast %get3A_35 : vector<64x1xf32> to vector<64x8192xf32>
    %add3A_37 = arith.addf %dot_general3A_32, %add3A_36 : vector<64x8192xf32>
    %swap3A = arith.constant 0 : index
    %swap3A_38 = arith.constant 0 : index
    %swap3A_39 = vector.load %arg8[%swap3A, %swap3A_38] : memref<64x8192xf32, #tpu.memory_space<vmem>>, vector<64x8192xf32>
    tpu.vector_store %arg8[%swap3A, %swap3A_38], %add3A_37 {strides = array<i32>} : memref<64x8192xf32, #tpu.memory_space<vmem>>, vector<64x8192xf32>,
    return
  }
  func.func @transform_0(%arg0: i32) -> (i32, i32) {
    %c0_i32 = arith.constant 0 : i32
    %c0_i32_0 = arith.constant 0 : i32
    return %arg0, %c0_i32 : i32, i32
  }
  func.func @transform_1(%arg0: i32) -> (i32, i32) {
    %c0_i32 = arith.constant 0 : i32
    %c0_i32_0 = arith.constant 0 : i32
    return %arg0, %c0_i32 : i32, i32
  }
  func.func @transform_2(%arg0: i32) -> (i32, i32) {
    %c0_i32 = arith.constant 0 : i32
    %c0_i32_0 = arith.constant 0 : i32
    return %arg0, %c0_i32 : i32, i32
  }
  func.func @transform_3(%arg0: i32) -> (i32, i32) {
    %c0_i32 = arith.constant 0 : i32
    %c0_i32_0 = arith.constant 0 : i32
    %c0_i32_1 = arith.constant 0 : i32
    return %c0_i32, %c0_i32_0 : i32, i32
  }
  func.func @transform_4(%arg0: i32) -> (i32, i32) {
    %c0_i32 = arith.constant 0 : i32
    %c0_i32_0 = arith.constant 0 : i32
    %c0_i32_1 = arith.constant 0 : i32
    return %c0_i32, %c0_i32_0 : i32, i32
  }
  func.func @transform_5(%arg0: i32) -> (i32, i32) {
    %c0_i32 = arith.constant 0 : i32
    %c0_i32_0 = arith.constant 0 : i32
    %c0_i32_1 = arith.constant 0 : i32
    return %c0_i32, %c0_i32_0 : i32, i32
  }
  func.func @transform_6(%arg0: i32) -> (i32, i32) {
    %c0_i32 = arith.constant 0 : i32
    %c0_i32_0 = arith.constant 0 : i32
    %c0_i32_1 = arith.constant 0 : i32
    return %c0_i32, %c0_i32_0 : i32, i32
  }
  func.func @transform_7(%arg0: i32) -> (i32, i32) {
    %c0_i32 = arith.constant 0 : i32
    %c0_i32_0 = arith.constant 0 : i32
    return %c0_i32, %arg0 : i32, i32
  }
}

</mosaic_0001>

<sc_bundles>
// kernel: kernel.4.cloned.1.call-start
scs
__scs_entry_jumppad:
0x0: {  	(pc) =	sbr.rel $0x88, $3  }
0x1: {  	(tag) =	ssettag $0x0;
	lr =	simm.s32 $0x1  }
0x2: {  	[smem:$0x3F97] =	sst lr;
	_ =	strace $0xD0000000  }
0x3: {  	_ = 	snop  }
0x4: {  	_ = 	snop  }
0x5: {  	_ = 	snop  }
0x6: {  	_ = 	snop  }
0x7: {  	_ = 	snop  }
__scs_overlays_trampoline_lowered:
0x8: {  	[smem:$0x3FA6] =	sst s0  }
0x9: {  	[smem:$0x3FA7] =	sst s1  }
0xa: {  	[smem:$0x3FA8] =	sst s2  }
0xb: {  	[smem:$0x3FA9] =	sst s3  }
0xc: {  	[smem:$0x3FAA] =	sst s4  }
0xd: {  	[smem:$0x3FAB] =	sst s5  }
0xe: {  	[smem:$0x3FAC] =	sst s6  }
0xf: {  	[smem:$0x3FAD] =	sst s7  }
0x10: {  	[smem:$0x3FAE] =	sst s8  }
0x11: {  	[smem:$0x3FAF] =	sst s9;
	s0 =	simm.s32 @!p0 $0x0  }
0x12: {  	s1 =	sld [smem:$0x3F95];
	s0 =	simm.s32 @p0 $0x1  }
0x13: {  	[smem:$0x3FB0] =	sst s0;
	s0 =	simm.s32 @!p1 $0x0  }
0x14: {  	s2 =	sld [smem:$0x3F94];
	s0 =	simm.s32 @p1 $0x1  }
0x15: {  	[smem:$0x3FB1] =	sst s0;
	s0 =	simm.s32 @!p2 $0x0  }
0x16: {  	s3 =	sld [smem:$0x3FDB];
	s0 =	simm.s32 @p2 $0x1  }
0x17: {  	s4 =	simm.s32 $0x1BF5;
	[smem:$0x3FB3] =	sst s0  }
0x18: {  	s0 =	sld [smem:$0x3F96];
	_ =	swait.ge [sflag:s4], $0x0  }
0x19: {  	s7 =	sld [smem:$0x3F97]  }
0x1a: {  	s8 =	sadd.s32 $0xFFFFE003, lr  }
0x1b: {  	s9 =	sadd.s32 $0xFFFFFEF7, lr;
	s5 =	simm.s32 $0xFFFFFFFF;
	p2 =	slt.u32 s8, $0xFFFFF086  }
0x1c: {  	p1 =	slt.u32 s9, $0xF7A;
	s5 =	simm.s32 @!p2 $0x0  }
0x1d: {  	s5 =	simm.s32 @p1 $0x1;
	p0 =	seq.s32 s7, s2  }
0x1e: {  	s7 =	smul.u32 @!p0 $0xF7A, s2;
	p2 =	seq.s32 @!p0 s5, $0x0  }
0x1f: {  	s9 =	smul.u32 $0xF7A, s1;
	s8 =	simm.s32 @!p0 $0x1BF5;
	p2 =	por !p2, p0  }
0x20: {  	[sflag:s8] =	ssyncset.s32 @!p0 $0xFFFFF086;
	s6 =	sadd.s32 @!p0 s3, s7;
	s7 =	simm.s32 @!p0 $0x108  }
0x21: {  	s3 =	sadd.s32 s3, s9;
	s6 =	sadd.s32 @!p0 $0x88, s6;
	s7 =	simm.s32 @p2 $0x1082  }
0x22: {  	[simem:s7], [sflag:s8] =	dma.local @!p0 [hbm:s6], $0xF7A  }
0x23: {  	s9 =	sor.u32 $0xD0000000, s2;
	s6 =	simm.s32 $0x108;
	_ =	swait.ge @!p0 [sflag:s8], $0x0  }
0x24: {  	s3 =	sadd.s32 $0x88, s3;
	s6 =	simm.s32 @!p1 $0x1082;
	[sflag:s4] =	ssyncset.s32 $0xFFFFF086  }
0x25: {  	[simem:s6], [sflag:s4] =	dma.local [hbm:s3], $0xF7A  }
0x26: {  	[smem:$0x3F97] =	sst s1;
	(tag) =	ssettag s2;
	_ =	strace s9  }
0x27: {  	s1 =	sld [smem:$0x3FA7]  }
0x28: {  	s2 =	sld [smem:$0x3FA8]  }
0x29: {  	s4 =	sld [smem:$0x3FAA]  }
0x2a: {  	p0 =	seq.s32 s5, $0x0;
	s5 =	sld [smem:$0x3FAB]  }
0x2b: {  	s6 =	sld [smem:$0x3FAC]  }
0x2c: {  	s7 =	sld [smem:$0x3FAD]  }
0x2d: {  	s3 =	simm.s32 $0x108;
	s8 =	sld [smem:$0x3FAE]  }
0x2e: {  	s3 =	simm.s32 @!p0 $0x1082;
	s9 =	sld [smem:$0x3FAF]  }
0x2f: {  	lr =	sadd.s32 s0, s3;
	s0 =	sld [smem:$0x3FA6]  }
0x30: {  	s3 =	sld [smem:$0x3FA9]  }
0x31: {  	[smem:$0x3FB2] =	sst s10  }
0x32: {  	s10 =	sld [smem:$0x3FB0];
	_ =	sdelay $0x3  }
0x33: {  	p0 =	seq.s32 s10, $0x1;
	s10 =	sld [smem:$0x3FB2];
	_ =	sdelay $0x3  }
0x34: {  	[smem:$0x3FB2] =	sst s10  }
0x35: {  	s10 =	sld [smem:$0x3FB1];
	_ =	sdelay $0x3  }
0x36: {  	p1 =	seq.s32 s10, $0x1;
	s10 =	sld [smem:$0x3FB2];
	_ =	sdelay $0x3  }
0x37: {  	[smem:$0x3FB2] =	sst s10  }
0x38: {  	s10 =	sld [smem:$0x3FB3]  }
0x39: {  	_ = 	snop;
	(pc) =	sbr.ind lr, $3  }
0x3a: {  	_ = 	snop  }
0x3b: {  	_ = 	snop  }
0x3c: {  	p2 =	seq.s32 s10, $0x1;
	s10 =	sld [smem:$0x3FB2]  }
0x3d: {  	_ =	shalt  }
0x3e: {  	_ =	shalt  }
0x3f: {  	_ =	shalt  }
0x40: {  	_ =	shalt  }
0x41: {  	_ =	shalt  }
0x42: {  	_ =	shalt  }
0x43: {  	_ =	shalt  }
0x44: {  	_ =	shalt  }
0x45: {  	_ =	shalt  }
0x46: {  	_ =	shalt  }
0x47: {  	_ =	shalt  }
0x48: {  	_ =	shalt  }
0x49: {  	_ =	shalt  }
0x4a: {  	_ =	shalt  }
0x4b: {  	_ =	shalt  }
0x4c: {  	_ =	shalt  }
0x4d: {  	_ =	shalt  }
0x4e: {  	_ =	shalt  }
0x4f: {  	_ =	shalt  }
0x50: {  	_ =	shalt  }
0x51: {  	_ =	shalt  }
0x52: {  	_ =	shalt  }
0x53: {  	_ =	shalt  }
0x54: {  	_ =	shalt  }
0x55: {  	_ =	shalt  }
0x56: {  	_ =	shalt  }
0x57: {  	_ =	shalt  }
0x58: {  	_ =	shalt  }
0x59: {  	_ =	shalt  }
0x5a: {  	_ =	shalt  }
0x5b: {  	_ =	shalt  }
0x5c: {  	_ =	shalt  }
0x5d: {  	_ =	shalt  }
0x5e: {  	_ =	shalt  }
0x5f: {  	_ =	shalt  }
0x60: {  	_ =	shalt  }
0x61: {  	_ =	shalt  }
0x62: {  	_ =	shalt  }
0x63: {  	_ =	shalt  }
0x64: {  	_ =	shalt  }
0x65: {  	_ =	shalt  }
0x66: {  	_ =	shalt  }
0x67: {  	_ =	shalt  }
0x68: {  	_ =	shalt  }
0x69: {  	_ =	shalt  }
0x6a: {  	_ =	shalt  }
0x6b: {  	_ =	shalt  }
0x6c: {  	_ =	shalt  }
0x6d: {  	_ =	shalt  }
0x6e: {  	_ =	shalt  }
0x6f: {  	_ =	shalt  }
0x70: {  	_ =	shalt  }
0x71: {  	_ =	shalt  }
0x72: {  	_ =	shalt  }
0x73: {  	_ =	shalt  }
0x74: {  	_ =	shalt  }
0x75: {  	_ =	shalt  }
0x76: {  	_ =	shalt  }
0x77: {  	_ =	shalt  }
0x78: {  	_ =	shalt  }
0x79: {  	_ =	shalt  }
0x7a: {  	_ =	shalt  }
0x7b: {  	_ =	shalt  }
0x7c: {  	_ =	shalt  }
0x7d: {  	_ =	shalt  }
0x7e: {  	_ =	shalt  }
0x7f: {  	_ =	shalt  }
0x80: {  	_ =	shalt  }
0x81: {  	_ =	shalt  }
0x82: {  	_ =	shalt  }
0x83: {  	_ =	shalt  }
0x84: {  	_ =	shalt  }
0x85: {  	_ =	shalt  }
0x86: {  	_ =	shalt  }
0x87: {  	_ =	shalt  }
.Lfunc_end0:
.L_simem_size_0:
called_computation_lowered:
.L_overlay_start_0:
0x88: {  	s2 =	sld [smem:$0x3FD9]  }
0x89: {  	s3 =	sld [smem:$0x3FFE];
	_ =	sdelay $0x1  }
0x8a: {  	s1 =	srdreg.scid  }
0x8b: {  	s0 =	sand.u32 $0x1, s1  }
0x8c: {  	s17 =	sshll.u32 s0, $0xA;
	s2 =	sadd.s32 s3, s2  }
0x8d: {  	s2 =	sadd.s32 s2, s17  }
0x8e: {  	[smem:$0x3FBE] =	sst s2  }
0x8f: {  	_ = 	snop  }
0x90: {  	s2 =	sld [smem:$0x3FC9]  }
0x91: {  	s18 =	sld [smem:$0x3FC8]  }
0x92: {  	s4 =	sld [smem:$0x3FC7]  }
0x93: {  	s5 =	sld [smem:$0x3FC6]  }
0x94: {  	s6 =	sld [smem:$0x3FC5]  }
0x95: {  	s7 =	sld [smem:$0x3FC4];
	(tm) =	ssettm $0x1  }
0x96: {  	s8 =	sld [smem:$0x3FFB];
	_ =	sdelay $0x3  }
0x97: {  	_ =	strace s8  }
0x98: {  	s8 =	sld [smem:$0x3FFC];
	_ =	sdelay $0x3  }
0x99: {  	_ =	strace s8  }
0x9a: {  	s8 =	sld [smem:$0x3FFD];
	_ =	sdelay $0x3  }
0x9b: {  	_ =	strace s8  }
0x9c: {  	_ =	strace $0x8FFFFFFF  }
0x9d: {  	s19 =	sld [smem:$0x3FDB];
	_ =	sdelay $0x1  }
0x9e: {  	s9 =	simm.s32 $_scs_section_size  }
0x9f: {  	s10 =	simm.s32 $_size__tile_overlayer_lowered;
	s11 =	simm.s32 $_tile_overlayer_lowered  }
0xa0: {  	s22 =	simm.s32 $0x1BFF;
	s21 =	sshll.u32 s11, $0x1;
	s8 =	sadd.s32 s9, s19  }
0xa1: {  	s12 =	simm.s32 $0x0;
	s20 =	sshll.u32 s10, $0x1;
	s10 =	sadd.s32 s21, s8  }
0xa2: {  	[timem:s12], [sflag:s22] =	dma.local [hbm:s10], s20  }
0xa3: {  	_ =	swait.ge [sflag:s22], s20  }
0xa4: {  	s9 =	ssub.s32 $0x0, s20;
	[sflag:s22] =	ssyncset.done $0x0  }
0xa5: {  	[sflag:s22] =	ssyncadd.s32 s9;
	_ =	sdelay $0x1  }
0xa6: {  	s23 =	simm.s32 $0x1B8B  }
0xa7: {  	_ =	swait.ge [sflag:s23], $0x1  }
0xa8: {  	[sflag:s23] =	ssyncset.done $0x0  }
0xa9: {  	s25 =	simm.s32 $0x1B8E;
	s24 =	sld [smem:$0x3FFE];
	[sflag:s23] =	ssyncadd.s32 $0xFFFFFFFF  }
0xaa: {  	s26 =	simm.s32 $execute0_lowered;
	[smem:$0x3FD2] =	sst s25  }
0xab: {  	s10 =	sshll.u32 s26, $0x1;
	_ =	strace $0x80000046;
	[dreg:$0x1] =	wrdreg $0xFFFFFFFF  }
0xac: {  	s28 =	simm.s32 $_size_execute0_lowered;
	s8 =	sadd.s32 s8, s10;
	[dreg:$0x0] =	wrdreg $0x0  }
0xad: {  	s10 =	sshll.u32 s28, $0x1;
	[dreg:$0x2] =	wrdreg s8  }
0xae: {  	[dreg:$0x3] =	wrdreg s10  }
0xaf: {  	[dreg:$0x4] =	wrdreg $0xC0  }
0xb0: {  	_ =	task [dreg:s12], $0x5FFFF  }
0xb1: {  	[dreg:$0x1] =	wrdreg $0xFFFFFFFF  }
0xb2: {  	[dreg:$0x0] =	wrdreg $0x60  }
0xb3: {  	[dreg:$0x2] =	wrdreg s2  }
0xb4: {  	[dreg:$0x3] =	wrdreg s18  }
0xb5: {  	[dreg:$0x4] =	wrdreg s4  }
0xb6: {  	[dreg:$0x5] =	wrdreg s5  }
0xb7: {  	[dreg:$0x6] =	wrdreg s6  }
0xb8: {  	[dreg:$0x7] =	wrdreg s7  }
0xb9: {  	[dreg:$0x8] =	wrdreg s24  }
0xba: {  	[dreg:$0x9] =	wrdreg $0x9  }
0xbb: {  	_ =	task.clear_ibuf [dreg:s12], $0xAFFFF;
	_ =	strace $0x90000046  }
0xbc: {  	s29 =	simm.s32 $0x9;
	_ =	strace $0x80000048  }
0xbd: {  	_ =	swait.ge [sflag:s29], $0x1  }
0xbe: {  	[sflag:s29] =	ssyncadd.s32 $0xFFFFFFFF  }
0xbf: {  	_ =	strace $0x90000048  }
0xc0: {  	_ =	sfence  }
0xc1: {  	s30 =	sld [smem:$0x0];
	_ =	sdelay $0x2  }
0xc2: {  	s31 =	sshll.u32 s1, $0xD;
	s1 =	sshrl.u32 s1, $0x2  }
0xc3: {  	s3 =	sand.u32 $0x4000, s31;
	s1 =	sadd.s32 s1, s30  }
0xc4: {  	s0 =	sor.u32 s3, s0;
	s1 =	sshll.u32 s1, $0x11  }
0xc5: {  	s0 =	sor.u32 s1, s0  }
0xc6: {  	s0 =	sadd.s32 $0x8F2B, s0  }
0xc7: {  	[sflag:s0] =	ssyncadd.remote.s32 $0x1  }
0xc8: {  	_ =	sfence.sel $0xFFFF  }
0xc9: {  	[dreg:$0x0] =	wrdreg $0xFFFFFFFF;
	(pc) =	sbr.abs _section_cstart, $3  }
0xca: {  	[dreg:$0x1] =	wrdreg $0xFFFFFFFF  }
0xcb: {  	_ =	task.clear_ibuf [dreg:s12], $0x2FFFF;
	_ =	strace $0x9FFFFFFF  }
0xcc: {  	(tm) =	ssettm $0x7FFFFFFF  }
0xcd: {  	_ =	shalt  }
tec
execute0_lowered:
.L_overlay_start_1:
0x0: {  	(tag) =	ssettag $0x1  }
0x1: {  	s0 =	rddreg [dreg:$0x0]  }
0x2: {  	s1 =	rddreg [dreg:$0x1]  }
0x3: {  	s4 =	rddreg [dreg:$0x2]  }
0x4: {  	s16 =	rddreg [dreg:$0x3]  }
0x5: {  	s6 =	rddreg [dreg:$0x4]  }
0x6: {  	s3 =	rddreg [dreg:$0x5]  }
0x7: {  	s5 =	rddreg [dreg:$0x6];
	s2 =	srdreg.scid  }
0x8: {  	s20 =	rddreg [dreg:$0x7];
	s8 =	stileid.u32  }
0x9: {  	s13 =	simm.s32 $0x600;
	s31 =	simm.s32 $0x180;
	s30 =	simm.s32 $0x280  }
0xa: {  	s14 =	simm.s32 $0x14600;
	p0 =	por $0x0, $0x0;
	s28 =	simm.s32 $0x300  }
0xb: {  	s29 =	simm.s32 $0x380;
	s7 =	sand.u32 $0x1, s2;
	s2 =	simm.s32 $0x0  }
0xc: {  	s8 =	sshll.u32 s8, $0xA;
	s15 =	sadd.s32 $0x1400, s5;
	s11 =	sadd.s32 $0x41400, s5  }
0xd: {  	s12 =	sadd.s32 $0x81400, s5;
	s9 =	sshll.u32 s7, $0x9;
	[smem:$0x7FF] =	sst s2  }
0xe: {  	s17 =	ssub.s32 $0x2, s7;
	s8 =	sor.u32 s9, s8;
	_ =	strace $0x80000047  }
0xf: {  	s23 =	sshrl.u32 s17, $0x1;
	s9 =	simm.s32 $0x10600;
	s10 =	sshrl.u32 s8, $0x3  }
0x10: {  	s21 =	sshll.u32 s8, $0x4;
	s7 =	ssub.s32 s17, s23;
	s23 =	simm.s32 $0x4600  }
0x11: {  	s8 =	simm.s32 $0x2;
	s0 =	sadd.s32 s0, s10;
	s18 =	sadd.s32 s1, s10  }
0x12: {  	s19 =	sadd.s32 s4, s10;
	s24 =	sadd.s32 s15, s21;
	s25 =	sor.u32 $0x1000, s21  }
0x13: {  	s17 =	sadd.s32 s11, s21;
	s5 =	sadd.s32 s12, s21;
	[dreg:$0x8] =	wrdreg s0  }
0x14: {  	s26 =	smax.u32 s7, $0x1;
	s10 =	simm.s32 $0x8600;
	[dreg:$0x9] =	wrdreg s18  }
0x15: {  	s7 =	simm.s32 $0x3;
	[dreg:$0xa] =	wrdreg s19;
	p1 =	sne.s32 s26, $0x1  }
.Ltmp0:
0x16: {  	s21 =	simm.s32 $0x500;
	[dreg:$0xb] =	wrdreg s24;
	(pc) =	sbr.rel @!p1 .LBB2_1-.Ltmp0, $4  }
0x17: {  	s22 =	sadd.s32 s15, s25;
	s11 =	sadd.s32 s11, s25;
	s4 =	sadd.s32 s12, s25  }
0x18: {  	s25 =	simm.s32 $0x200;
	s15 =	simm.s32 $0x400;
	s18 =	simm.s32 $0x1  }
0x19: {  	s12 =	simm.s32 $0x80;
	s19 =	simm.s32 $0xC600;
	s0 =	sadd.s32 $0xFFFFFFFF, s26  }
0x1a: {  	s26 =	simm.s32 $0x480;
	s24 =	simm.s32 $0x580;
	s1 =	rddreg [dreg:$0x8]  }
0x1b: {  	[tilespmem:s2], [sflag:$0x1] =	stream.linear.gather [hbm4b:s1+s2], $0x200, $0x38;
	[tilespmem:$0x18600] =	vst v63  }
0x1c: {  	s20 =	smov.u32 s0;
	s0 =	rddreg [dreg:$0x9]  }
0x1d: {  	[tilespmem:s25], [sflag:$0x1] =	stream.linear.gather [hbm4b:s0+s2], $0x200, $0x38;
	[tilespmem:$0x18600] =	vst v63  }
0x1e: {  	s1 =	rddreg [dreg:$0xa]  }
0x1f: {  	[tilespmem:s15], [sflag:$0x1] =	stream.linear.gather [hbm4b:s1+s2], $0x200, $0x38;
	[tilespmem:$0x18600] =	vst v63  }
0x20: {  	_ =	swait.ge [sflag:s18], $0x200  }
0x21: {  	[sflag:s18] =	ssyncset.done $0x0  }
0x22: {  	[sflag:s18] =	ssyncadd.s32 $0xFFFFFE00  }
0x23: {  	[tilespmem:s13], [sflag:$0x2] =	stream.indirect.gather [hbm4b:s16+s12], $0x80, s2, s12, $0xb8;
	[tilespmem:$0x18600] =	vst v63  }
0x24: {  	_ = 	snop  }
0x25: {  	[tilespmem:s23], [sflag:$0x2] =	stream.indirect.gather [hbm4b:s16+s12], $0x80, s12, s12, $0xb8;
	[tilespmem:$0x18600] =	vst v63  }
0x26: {  	s1 =	simm.s32 $0x100  }
0x27: {  	[tilespmem:s10], [sflag:$0x2] =	stream.indirect.gather [hbm4b:s16+s12], $0x80, s1, s12, $0xb8;
	[tilespmem:$0x18600] =	vst v63  }
0x28: {  	_ = 	snop  }
0x29: {  	[tilespmem:s19], [sflag:$0x2] =	stream.indirect.gather [hbm4b:s16+s12], $0x80, s31, s12, $0xb8;
	[tilespmem:$0x18600] =	vst v63  }
0x2a: {  	_ =	swait.ge [sflag:s8], $0x4000  }
0x2b: {  	[sflag:s8] =	ssyncset.done $0x0  }
0x2c: {  	[sflag:s8] =	ssyncadd.s32 $0xFFFFC000  }
0x2d: {  	_ =	swait.ge [sflag:s8], $0x4000  }
0x2e: {  	[sflag:s8] =	ssyncset.done $0x0  }
0x2f: {  	s1 =	rddreg [dreg:$0xb];
	[sflag:s8] =	ssyncadd.s32 $0xFFFFC000  }
0x30: {  	[hbm4b:s1+s2] =	stream.linear.scatter [tilespmem:s13], [sflag:$0x3], $0x8000, $0x38;
	[tilespmem:$0x18600] =	vst v63  }
0x31: {  	_ =	swait.ge [sflag:s18], $0x200  }
0x32: {  	[sflag:s18] =	ssyncset.done $0x0  }
0x33: {  	[sflag:s18] =	ssyncadd.s32 $0xFFFFFE00  }
0x34: {  	[tilespmem:s9], [sflag:$0x2] =	stream.indirect.gather [hbm4b:s6+s12], $0x80, s25, s12, $0xb8;
	[tilespmem:$0x18600] =	vst v63  }
0x35: {  	_ = 	snop  }
0x36: {  	[tilespmem:s14], [sflag:$0x2] =	stream.indirect.gather [hbm4b:s6+s12], $0x80, s30, s12, $0xb8;
	[tilespmem:$0x18600] =	vst v63  }
0x37: {  	_ =	swait.ge [sflag:s8], $0x4000  }
0x38: {  	[sflag:s8] =	ssyncset.done $0x0  }
0x39: {  	[sflag:s8] =	ssyncadd.s32 $0xFFFFC000  }
0x3a: {  	_ =	swait.ge [sflag:s8], $0x4000  }
0x3b: {  	[sflag:s8] =	ssyncset.done $0x0  }
0x3c: {  	[sflag:s8] =	ssyncadd.s32 $0xFFFFC000  }
0x3d: {  	[hbm4b:s22+s2] =	stream.linear.scatter [tilespmem:s10], [sflag:$0x3], $0x8000, $0x38;
	[tilespmem:$0x18600] =	vst v63  }
0x3e: {  	_ =	swait.ge [sflag:s7], $0x8000  }
0x3f: {  	[sflag:s7] =	ssyncset.done $0x0  }
0x40: {  	[sflag:s7] =	ssyncadd.s32 $0xFFFF8000  }
0x41: {  	[tilespmem:s13], [sflag:$0x2] =	stream.indirect.gather [hbm4b:s6+s12], $0x80, s28, s12, $0xb8;
	[tilespmem:$0x18600] =	vst v63  }
0x42: {  	_ = 	snop  }
0x43: {  	[tilespmem:s23], [sflag:$0x2] =	stream.indirect.gather [hbm4b:s6+s12], $0x80, s29, s12, $0xb8;
	[tilespmem:$0x18600] =	vst v63  }
0x44: {  	_ =	swait.ge [sflag:s8], $0x4000  }
0x45: {  	[sflag:s8] =	ssyncset.done $0x0  }
0x46: {  	[sflag:s8] =	ssyncadd.s32 $0xFFFFC000  }
0x47: {  	_ =	swait.ge [sflag:s8], $0x4000  }
0x48: {  	[sflag:s8] =	ssyncset.done $0x0  }
0x49: {  	[sflag:s8] =	ssyncadd.s32 $0xFFFFC000  }
0x4a: {  	[hbm4b:s17+s2] =	stream.linear.scatter [tilespmem:s9], [sflag:$0x3], $0x8000, $0x38;
	[tilespmem:$0x18600] =	vst v63  }
0x4b: {  	_ =	swait.ge [sflag:s7], $0x8000  }
0x4c: {  	[sflag:s7] =	ssyncset.done $0x0  }
0x4d: {  	[sflag:s7] =	ssyncadd.s32 $0xFFFF8000  }
0x4e: {  	_ =	swait.ge [sflag:s18], $0x200  }
0x4f: {  	[sflag:s18] =	ssyncset.done $0x0  }
0x50: {  	[sflag:s18] =	ssyncadd.s32 $0xFFFFFE00  }
0x51: {  	[tilespmem:s10], [sflag:$0x2] =	stream.indirect.gather [hbm4b:s3+s12], $0x80, s15, s12, $0xb8;
	[tilespmem:$0x18600] =	vst v63  }
0x52: {  	_ = 	snop  }
0x53: {  	[tilespmem:s19], [sflag:$0x2] =	stream.indirect.gather [hbm4b:s3+s12], $0x80, s26, s12, $0xb8;
	[tilespmem:$0x18600] =	vst v63  }
0x54: {  	_ =	swait.ge [sflag:s8], $0x4000  }
0x55: {  	[sflag:s8] =	ssyncset.done $0x0  }
0x56: {  	[sflag:s8] =	ssyncadd.s32 $0xFFFFC000  }
0x57: {  	_ =	swait.ge [sflag:s8], $0x4000  }
0x58: {  	[sflag:s8] =	ssyncset.done $0x0  }
0x59: {  	[sflag:s8] =	ssyncadd.s32 $0xFFFFC000  }
0x5a: {  	[hbm4b:s11+s2] =	stream.linear.scatter [tilespmem:s13], [sflag:$0x3], $0x8000, $0x38;
	[tilespmem:$0x18600] =	vst v63  }
0x5b: {  	_ =	swait.ge [sflag:s7], $0x8000  }
0x5c: {  	[sflag:s7] =	ssyncset.done $0x0  }
0x5d: {  	[sflag:s7] =	ssyncadd.s32 $0xFFFF8000  }
0x5e: {  	[tilespmem:s9], [sflag:$0x2] =	stream.indirect.gather [hbm4b:s3+s12], $0x80, s21, s12, $0xb8;
	[tilespmem:$0x18600] =	vst v63  }
0x5f: {  	_ = 	snop  }
0x60: {  	[tilespmem:s14], [sflag:$0x2] =	stream.indirect.gather [hbm4b:s3+s12], $0x80, s24, s12, $0xb8;
	[tilespmem:$0x18600] =	vst v63  }
0x61: {  	_ =	swait.ge [sflag:s8], $0x4000  }
0x62: {  	[sflag:s8] =	ssyncset.done $0x0  }
0x63: {  	[sflag:s8] =	ssyncadd.s32 $0xFFFFC000  }
0x64: {  	_ =	swait.ge [sflag:s8], $0x4000  }
0x65: {  	[sflag:s8] =	ssyncset.done $0x0  }
0x66: {  	[sflag:s8] =	ssyncadd.s32 $0xFFFFC000  }
0x67: {  	[hbm4b:s5+s2] =	stream.linear.scatter [tilespmem:s10], [sflag:$0x3], $0x8000, $0x38;
	[tilespmem:$0x18600] =	vst v63  }
0x68: {  	_ =	swait.ge [sflag:s8], $0x4000  }
0x69: {  	[sflag:s8] =	ssyncset.done $0x0  }
0x6a: {  	[sflag:s8] =	ssyncadd.s32 $0xFFFFC000  }
0x6b: {  	_ =	swait.ge [sflag:s8], $0x4000  }
0x6c: {  	[sflag:s8] =	ssyncset.done $0x0  }
0x6d: {  	[sflag:s8] =	ssyncadd.s32 $0xFFFFC000  }
0x6e: {  	[hbm4b:s4+s2] =	stream.linear.scatter [tilespmem:s9], [sflag:$0x3], $0x8000, $0x38;
	[tilespmem:$0x18600] =	vst v63  }
0x6f: {  	_ =	swait.ge [sflag:s7], $0x8000  }
0x70: {  	[sflag:s7] =	ssyncset.done $0x0  }
0x71: {  	p1 =	sne.s32 s20, $0x1;
	[sflag:s7] =	ssyncadd.s32 $0xFFFF8000  }
.Ltmp1:
0x72: {  	_ =	swait.ge [sflag:s7], $0x8000;
	(pc) =	sbr.rel @!p1 .LBB2_3-.Ltmp1, $4  }
0x73: {  	[sflag:s7] =	ssyncset.done $0x0  }
0x74: {  	[sflag:s7] =	ssyncadd.s32 $0xFFFF8000  }
0x75: {  	p0 =	por $0x1, $0x1;
	_ =	swait.ge [sflag:s7], $0x8000  }
0x76: {  	s0 =	sadd.s32 $0xFFFFFFFF, s20;
	s1 =	rddreg [dreg:$0x8];
	[sflag:s7] =	ssyncset.done $0x0  }
.LBB2_4:
0x77: {  	[sflag:s7] =	ssyncadd.s32 $0xFFFF8000  }
0x78: {  	[tilespmem:s2], [sflag:$0x1] =	stream.linear.gather [hbm4b:s1+s2], $0x200, $0x38;
	[tilespmem:$0x18600] =	vst v63  }
0x79: {  	s20 =	rddreg [dreg:$0x9]  }
0x7a: {  	[tilespmem:s25], [sflag:$0x1] =	stream.linear.gather [hbm4b:s20+s2], $0x200, $0x38;
	[tilespmem:$0x18600] =	vst v63  }
0x7b: {  	s1 =	rddreg [dreg:$0xa]  }
0x7c: {  	[tilespmem:s15], [sflag:$0x1] =	stream.linear.gather [hbm4b:s1+s2], $0x200, $0x38;
	[tilespmem:$0x18600] =	vst v63  }
0x7d: {  	_ =	swait.ge [sflag:s18], $0x200  }
0x7e: {  	[sflag:s18] =	ssyncset.done $0x0  }
0x7f: {  	[sflag:s18] =	ssyncadd.s32 $0xFFFFFE00  }
0x80: {  	[tilespmem:s13], [sflag:$0x2] =	stream.indirect.gather [hbm4b:s16+s12], $0x80, s2, s12, $0xb8;
	[tilespmem:$0x18600] =	vst v63  }
0x81: {  	_ = 	snop  }
0x82: {  	[tilespmem:s23], [sflag:$0x2] =	stream.indirect.gather [hbm4b:s16+s12], $0x80, s12, s12, $0xb8;
	[tilespmem:$0x18600] =	vst v63  }
0x83: {  	s20 =	simm.s32 $0x100  }
0x84: {  	[tilespmem:s10], [sflag:$0x2] =	stream.indirect.gather [hbm4b:s16+s12], $0x80, s20, s12, $0xb8;
	[tilespmem:$0x18600] =	vst v63  }
0x85: {  	_ = 	snop  }
0x86: {  	[tilespmem:s19], [sflag:$0x2] =	stream.indirect.gather [hbm4b:s16+s12], $0x80, s31, s12, $0xb8;
	[tilespmem:$0x18600] =	vst v63  }
0x87: {  	_ =	swait.ge [sflag:s8], $0x4000  }
0x88: {  	[sflag:s8] =	ssyncset.done $0x0  }
0x89: {  	[sflag:s8] =	ssyncadd.s32 $0xFFFFC000  }
0x8a: {  	_ =	swait.ge [sflag:s8], $0x4000  }
0x8b: {  	[sflag:s8] =	ssyncset.done $0x0  }
0x8c: {  	s20 =	rddreg [dreg:$0xb];
	[sflag:s8] =	ssyncadd.s32 $0xFFFFC000  }
0x8d: {  	[hbm4b:s20+s2] =	stream.linear.scatter [tilespmem:s13], [sflag:$0x3], $0x8000, $0x38;
	[tilespmem:$0x18600] =	vst v63  }
0x8e: {  	_ =	swait.ge [sflag:s18], $0x200  }
0x8f: {  	[sflag:s18] =	ssyncset.done $0x0  }
0x90: {  	[sflag:s18] =	ssyncadd.s32 $0xFFFFFE00  }
0x91: {  	[tilespmem:s9], [sflag:$0x2] =	stream.indirect.gather [hbm4b:s6+s12], $0x80, s25, s12, $0xb8;
	[tilespmem:$0x18600] =	vst v63  }
0x92: {  	_ = 	snop  }
0x93: {  	[tilespmem:s14], [sflag:$0x2] =	stream.indirect.gather [hbm4b:s6+s12], $0x80, s30, s12, $0xb8;
	[tilespmem:$0x18600] =	vst v63  }
0x94: {  	_ =	swait.ge [sflag:s8], $0x4000  }
0x95: {  	[sflag:s8] =	ssyncset.done $0x0  }
0x96: {  	[sflag:s8] =	ssyncadd.s32 $0xFFFFC000  }
0x97: {  	_ =	swait.ge [sflag:s8], $0x4000  }
0x98: {  	[sflag:s8] =	ssyncset.done $0x0  }
0x99: {  	[sflag:s8] =	ssyncadd.s32 $0xFFFFC000  }
0x9a: {  	[hbm4b:s22+s2] =	stream.linear.scatter [tilespmem:s10], [sflag:$0x3], $0x8000, $0x38;
	[tilespmem:$0x18600] =	vst v63  }
0x9b: {  	_ =	swait.ge [sflag:s7], $0x8000  }
0x9c: {  	[sflag:s7] =	ssyncset.done $0x0  }
0x9d: {  	[sflag:s7] =	ssyncadd.s32 $0xFFFF8000  }
0x9e: {  	[tilespmem:s13], [sflag:$0x2] =	stream.indirect.gather [hbm4b:s6+s12], $0x80, s28, s12, $0xb8;
	[tilespmem:$0x18600] =	vst v63  }
0x9f: {  	_ = 	snop  }
0xa0: {  	[tilespmem:s23], [sflag:$0x2] =	stream.indirect.gather [hbm4b:s6+s12], $0x80, s29, s12, $0xb8;
	[tilespmem:$0x18600] =	vst v63  }
0xa1: {  	_ =	swait.ge [sflag:s8], $0x4000  }
0xa2: {  	[sflag:s8] =	ssyncset.done $0x0  }
0xa3: {  	[sflag:s8] =	ssyncadd.s32 $0xFFFFC000  }
0xa4: {  	_ =	swait.ge [sflag:s8], $0x4000  }
0xa5: {  	[sflag:s8] =	ssyncset.done $0x0  }
0xa6: {  	[sflag:s8] =	ssyncadd.s32 $0xFFFFC000  }
0xa7: {  	[hbm4b:s17+s2] =	stream.linear.scatter [tilespmem:s9], [sflag:$0x3], $0x8000, $0x38;
	[tilespmem:$0x18600] =	vst v63  }
0xa8: {  	_ =	swait.ge [sflag:s7], $0x8000  }
0xa9: {  	[sflag:s7] =	ssyncset.done $0x0  }
0xaa: {  	[sflag:s7] =	ssyncadd.s32 $0xFFFF8000  }
0xab: {  	_ =	swait.ge [sflag:s18], $0x200  }
0xac: {  	[sflag:s18] =	ssyncset.done $0x0  }
0xad: {  	[sflag:s18] =	ssyncadd.s32 $0xFFFFFE00  }
0xae: {  	[tilespmem:s10], [sflag:$0x2] =	stream.indirect.gather [hbm4b:s3+s12], $0x80, s15, s12, $0xb8;
	[tilespmem:$0x18600] =	vst v63  }
0xaf: {  	_ = 	snop  }
0xb0: {  	[tilespmem:s19], [sflag:$0x2] =	stream.indirect.gather [hbm4b:s3+s12], $0x80, s26, s12, $0xb8;
	[tilespmem:$0x18600] =	vst v63  }
0xb1: {  	_ =	swait.ge [sflag:s8], $0x4000  }
0xb2: {  	[sflag:s8] =	ssyncset.done $0x0  }
0xb3: {  	[sflag:s8] =	ssyncadd.s32 $0xFFFFC000  }
0xb4: {  	_ =	swait.ge [sflag:s8], $0x4000  }
0xb5: {  	[sflag:s8] =	ssyncset.done $0x0  }
0xb6: {  	[sflag:s8] =	ssyncadd.s32 $0xFFFFC000  }
0xb7: {  	[hbm4b:s11+s2] =	stream.linear.scatter [tilespmem:s13], [sflag:$0x3], $0x8000, $0x38;
	[tilespmem:$0x18600] =	vst v63  }
0xb8: {  	_ =	swait.ge [sflag:s7], $0x8000  }
0xb9: {  	[sflag:s7] =	ssyncset.done $0x0  }
0xba: {  	[sflag:s7] =	ssyncadd.s32 $0xFFFF8000  }
0xbb: {  	[tilespmem:s9], [sflag:$0x2] =	stream.indirect.gather [hbm4b:s3+s12], $0x80, s21, s12, $0xb8;
	[tilespmem:$0x18600] =	vst v63  }
0xbc: {  	_ = 	snop  }
0xbd: {  	[tilespmem:s14], [sflag:$0x2] =	stream.indirect.gather [hbm4b:s3+s12], $0x80, s24, s12, $0xb8;
	[tilespmem:$0x18600] =	vst v63  }
0xbe: {  	_ =	swait.ge [sflag:s8], $0x4000  }
0xbf: {  	[sflag:s8] =	ssyncset.done $0x0  }
0xc0: {  	[sflag:s8] =	ssyncadd.s32 $0xFFFFC000  }
0xc1: {  	_ =	swait.ge [sflag:s8], $0x4000  }
0xc2: {  	[sflag:s8] =	ssyncset.done $0x0  }
0xc3: {  	[sflag:s8] =	ssyncadd.s32 $0xFFFFC000  }
0xc4: {  	[hbm4b:s5+s2] =	stream.linear.scatter [tilespmem:s10], [sflag:$0x3], $0x8000, $0x38;
	[tilespmem:$0x18600] =	vst v63  }
0xc5: {  	_ =	swait.ge [sflag:s8], $0x4000  }
0xc6: {  	[sflag:s8] =	ssyncset.done $0x0  }
0xc7: {  	[sflag:s8] =	ssyncadd.s32 $0xFFFFC000  }
0xc8: {  	_ =	swait.ge [sflag:s8], $0x4000  }
0xc9: {  	[sflag:s8] =	ssyncset.done $0x0  }
0xca: {  	[sflag:s8] =	ssyncadd.s32 $0xFFFFC000  }
0xcb: {  	[hbm4b:s4+s2] =	stream.linear.scatter [tilespmem:s9], [sflag:$0x3], $0x8000, $0x38;
	[tilespmem:$0x18600] =	vst v63  }
0xcc: {  	_ =	swait.ge [sflag:s7], $0x8000  }
0xcd: {  	[sflag:s7] =	ssyncset.done $0x0  }
0xce: {  	p1 =	sne.s32 s0, $0x1;
	[sflag:s7] =	ssyncadd.s32 $0xFFFF8000  }
.Ltmp2:
0xcf: {  	_ =	swait.ge [sflag:s7], $0x8000;
	(pc) =	sbr.rel @p1 .LBB2_4-.Ltmp2, $4  }
0xd0: {  	[sflag:s7] =	ssyncset.done $0x0  }
0xd1: {  	[sflag:s7] =	ssyncadd.s32 $0xFFFF8000  }
0xd2: {  	_ =	swait.ge [sflag:s7], $0x8000  }
0xd3: {  	s0 =	sadd.s32 $0xFFFFFFFF, s0;
	s1 =	rddreg [dreg:$0x8];
	[sflag:s7] =	ssyncset.done $0x0  }
0xd4: {  	s24 =	simm.s32 $0x180;
	s31 =	simm.s32 $0x100  }
0xd5: {  	s30 =	simm.s32 $0x280;
	s29 =	simm.s32 $0x380;
	s28 =	simm.s32 $0x300  }
0xd6: {  	s26 =	simm.s32 $0x480;
	s21 =	simm.s32 $0x500;
	s20 =	rddreg [dreg:$0x7]  }
.LBB2_6:
0xd7: {  	[sflag:s7] =	ssyncadd.s32 @p0 $0xFFFF8000  }
0xd8: {  	[tilespmem:s2], [sflag:$0x1] =	stream.linear.gather [hbm4b:s1+s2], $0x200, $0x38;
	[tilespmem:$0x18600] =	vst v63  }
0xd9: {  	s0 =	rddreg [dreg:$0x9]  }
0xda: {  	[tilespmem:s25], [sflag:$0x1] =	stream.linear.gather [hbm4b:s0+s2], $0x200, $0x38;
	[tilespmem:$0x18600] =	vst v63  }
0xdb: {  	s1 =	rddreg [dreg:$0xa]  }
0xdc: {  	[tilespmem:s15], [sflag:$0x1] =	stream.linear.gather [hbm4b:s1+s2], $0x200, $0x38;
	[tilespmem:$0x18600] =	vst v63  }
0xdd: {  	_ =	swait.ge [sflag:s18], $0x200  }
0xde: {  	[sflag:s18] =	ssyncset.done $0x0  }
0xdf: {  	[sflag:s18] =	ssyncadd.s32 $0xFFFFFE00  }
0xe0: {  	[tilespmem:s13], [sflag:$0x2] =	stream.indirect.gather [hbm4b:s16+s12], $0x80, s2, s12, $0xb8;
	[tilespmem:$0x18600] =	vst v63  }
0xe1: {  	_ = 	snop  }
0xe2: {  	[tilespmem:s23], [sflag:$0x2] =	stream.indirect.gather [hbm4b:s16+s12], $0x80, s12, s12, $0xb8;
	[tilespmem:$0x18600] =	vst v63  }
0xe3: {  	_ = 	snop  }
0xe4: {  	[tilespmem:s10], [sflag:$0x2] =	stream.indirect.gather [hbm4b:s16+s12], $0x80, s31, s12, $0xb8;
	[tilespmem:$0x18600] =	vst v63  }
0xe5: {  	_ = 	snop  }
0xe6: {  	[tilespmem:s19], [sflag:$0x2] =	stream.indirect.gather [hbm4b:s16+s12], $0x80, s24, s12, $0xb8;
	[tilespmem:$0x18600] =	vst v63  }
0xe7: {  	_ =	swait.ge [sflag:s8], $0x4000  }
0xe8: {  	[sflag:s8] =	ssyncset.done $0x0  }
0xe9: {  	[sflag:s8] =	ssyncadd.s32 $0xFFFFC000  }
0xea: {  	_ =	swait.ge [sflag:s8], $0x4000  }
0xeb: {  	[sflag:s8] =	ssyncset.done $0x0  }
0xec: {  	s24 =	rddreg [dreg:$0xb];
	[sflag:s8] =	ssyncadd.s32 $0xFFFFC000  }
0xed: {  	[hbm4b:s24+s2] =	stream.linear.scatter [tilespmem:s13], [sflag:$0x3], $0x8000, $0x38;
	[tilespmem:$0x18600] =	vst v63  }
0xee: {  	_ =	swait.ge [sflag:s18], $0x200  }
0xef: {  	[sflag:s18] =	ssyncset.done $0x0  }
0xf0: {  	[sflag:s18] =	ssyncadd.s32 $0xFFFFFE00  }
0xf1: {  	[tilespmem:s9], [sflag:$0x2] =	stream.indirect.gather [hbm4b:s6+s12], $0x80, s25, s12, $0xb8;
	[tilespmem:$0x18600] =	vst v63  }
0xf2: {  	_ = 	snop  }
0xf3: {  	[tilespmem:s14], [sflag:$0x2] =	stream.indirect.gather [hbm4b:s6+s12], $0x80, s30, s12, $0xb8;
	[tilespmem:$0x18600] =	vst v63  }
0xf4: {  	_ =	swait.ge [sflag:s8], $0x4000  }
0xf5: {  	[sflag:s8] =	ssyncset.done $0x0  }
0xf6: {  	[sflag:s8] =	ssyncadd.s32 $0xFFFFC000  }
0xf7: {  	_ =	swait.ge [sflag:s8], $0x4000  }
0xf8: {  	[sflag:s8] =	ssyncset.done $0x0  }
0xf9: {  	[sflag:s8] =	ssyncadd.s32 $0xFFFFC000  }
0xfa: {  	[hbm4b:s22+s2] =	stream.linear.scatter [tilespmem:s10], [sflag:$0x3], $0x8000, $0x38;
	[tilespmem:$0x18600] =	vst v63  }
0xfb: {  	_ =	swait.ge [sflag:s7], $0x8000  }
0xfc: {  	[sflag:s7] =	ssyncset.done $0x0  }
0xfd: {  	[sflag:s7] =	ssyncadd.s32 $0xFFFF8000  }
0xfe: {  	[tilespmem:s13], [sflag:$0x2] =	stream.indirect.gather [hbm4b:s6+s12], $0x80, s28, s12, $0xb8;
	[tilespmem:$0x18600] =	vst v63  }
0xff: {  	_ = 	snop  }
0x100: {  	[tilespmem:s23], [sflag:$0x2] =	stream.indirect.gather [hbm4b:s6+s12], $0x80, s29, s12, $0xb8;
	[tilespmem:$0x18600] =	vst v63  }
0x101: {  	_ =	swait.ge [sflag:s8], $0x4000  }
0x102: {  	[sflag:s8] =	ssyncset.done $0x0  }
0x103: {  	[sflag:s8] =	ssyncadd.s32 $0xFFFFC000  }
0x104: {  	_ =	swait.ge [sflag:s8], $0x4000  }
0x105: {  	[sflag:s8] =	ssyncset.done $0x0  }
0x106: {  	[sflag:s8] =	ssyncadd.s32 $0xFFFFC000  }
0x107: {  	[hbm4b:s17+s2] =	stream.linear.scatter [tilespmem:s9], [sflag:$0x3], $0x8000, $0x38;
	[tilespmem:$0x18600] =	vst v63  }
0x108: {  	_ =	swait.ge [sflag:s7], $0x8000  }
0x109: {  	[sflag:s7] =	ssyncset.done $0x0  }
0x10a: {  	[sflag:s7] =	ssyncadd.s32 $0xFFFF8000  }
0x10b: {  	_ =	swait.ge [sflag:s18], $0x200  }
0x10c: {  	[sflag:s18] =	ssyncset.done $0x0  }
0x10d: {  	[sflag:s18] =	ssyncadd.s32 $0xFFFFFE00  }
0x10e: {  	[tilespmem:s10], [sflag:$0x2] =	stream.indirect.gather [hbm4b:s3+s12], $0x80, s15, s12, $0xb8;
	[tilespmem:$0x18600] =	vst v63  }
0x10f: {  	_ = 	snop  }
0x110: {  	[tilespmem:s19], [sflag:$0x2] =	stream.indirect.gather [hbm4b:s3+s12], $0x80, s26, s12, $0xb8;
	[tilespmem:$0x18600] =	vst v63  }
0x111: {  	_ =	swait.ge [sflag:s8], $0x4000  }
0x112: {  	[sflag:s8] =	ssyncset.done $0x0  }
0x113: {  	[sflag:s8] =	ssyncadd.s32 $0xFFFFC000  }
0x114: {  	_ =	swait.ge [sflag:s8], $0x4000  }
0x115: {  	[sflag:s8] =	ssyncset.done $0x0  }
0x116: {  	[sflag:s8] =	ssyncadd.s32 $0xFFFFC000  }
0x117: {  	[hbm4b:s11+s2] =	stream.linear.scatter [tilespmem:s13], [sflag:$0x3], $0x8000, $0x38;
	[tilespmem:$0x18600] =	vst v63  }
0x118: {  	_ =	swait.ge [sflag:s7], $0x8000  }
0x119: {  	[sflag:s7] =	ssyncset.done $0x0  }
0x11a: {  	[sflag:s7] =	ssyncadd.s32 $0xFFFF8000  }
0x11b: {  	[tilespmem:s9], [sflag:$0x2] =	stream.indirect.gather [hbm4b:s3+s12], $0x80, s21, s12, $0xb8;
	[tilespmem:$0x18600] =	vst v63  }
0x11c: {  	s30 =	simm.s32 $0x580  }
0x11d: {  	[tilespmem:s14], [sflag:$0x2] =	stream.indirect.gather [hbm4b:s3+s12], $0x80, s30, s12, $0xb8;
	[tilespmem:$0x18600] =	vst v63  }
0x11e: {  	_ =	swait.ge [sflag:s8], $0x4000  }
0x11f: {  	[sflag:s8] =	ssyncset.done $0x0  }
0x120: {  	[sflag:s8] =	ssyncadd.s32 $0xFFFFC000  }
0x121: {  	_ =	swait.ge [sflag:s8], $0x4000  }
0x122: {  	[sflag:s8] =	ssyncset.done $0x0  }
0x123: {  	[sflag:s8] =	ssyncadd.s32 $0xFFFFC000  }
0x124: {  	[hbm4b:s5+s2] =	stream.linear.scatter [tilespmem:s10], [sflag:$0x3], $0x8000, $0x38;
	[tilespmem:$0x18600] =	vst v63  }
0x125: {  	_ =	swait.ge [sflag:s8], $0x4000  }
0x126: {  	[sflag:s8] =	ssyncset.done $0x0  }
0x127: {  	[sflag:s8] =	ssyncadd.s32 $0xFFFFC000  }
0x128: {  	_ =	swait.ge [sflag:s8], $0x4000  }
0x129: {  	[sflag:s8] =	ssyncset.done $0x0  }
0x12a: {  	[sflag:s8] =	ssyncadd.s32 $0xFFFFC000  }
0x12b: {  	[hbm4b:s4+s2] =	stream.linear.scatter [tilespmem:s9], [sflag:$0x3], $0x8000, $0x38;
	[tilespmem:$0x18600] =	vst v63  }
0x12c: {  	_ =	swait.ge [sflag:s7], $0x8000  }
0x12d: {  	[sflag:s7] =	ssyncset.done $0x0  }
0x12e: {  	[sflag:s7] =	ssyncadd.s32 $0xFFFF8000  }
0x12f: {  	_ =	swait.ge [sflag:s7], $0x8000  }
0x130: {  	[sflag:s7] =	ssyncset.done $0x0  }
0x131: {  	[sflag:s7] =	ssyncadd.s32 $0xFFFF8000  }
0x132: {  	_ =	swait.ge [sflag:s7], $0x8000  }
0x133: {  	[sflag:s7] =	ssyncset.done $0x0  }
0x134: {  	[sflag:s7] =	ssyncadd.s32 $0xFFFF8000  }
0x135: {  	_ =	sfence.sel $0x180000  }
0x136: {  	s31 =	stileid.u32;
	[bflag:$0x0] =	sbarrier.arrive $0xFFFF  }
0x137: {  	p0 =	sne.s32 s31, $0x0;
	_ =	strace $0x90000047  }
0x138: {  	s0 =	sadd.s32 @!p0 $0x100000, s20;
	[bflag:$0x2] =	sbarrier.arrive $0xFFFF  }
0x139: {  	[sflag:s0] =	ssyncadd.tile.s32 @!p0 $0x1;
	_ =	shalt  }
.LBB2_1:
.Ltmp3:
0x13a: {  	(pc) =	sbr.rel .LBB2_6-.Ltmp3, $4  }
0x13b: {  	_ = 	snop  }
0x13c: {  	s24 =	simm.s32 $0x180  }
0x13d: {  	s31 =	simm.s32 $0x100;
	s30 =	simm.s32 $0x280;
	s29 =	simm.s32 $0x380  }
0x13e: {  	s28 =	simm.s32 $0x300;
	s26 =	simm.s32 $0x480;
	s21 =	simm.s32 $0x500  }
.LBB2_3:
.Ltmp4:
0x13f: {  	(pc) =	sbr.rel .LBB2_6-.Ltmp4, $4  }
0x140: {  	_ = 	snop  }
0x141: {  	s24 =	simm.s32 $0x180;
	s31 =	simm.s32 $0x100  }
0x142: {  	s30 =	simm.s32 $0x280;
	s29 =	simm.s32 $0x380;
	s28 =	simm.s32 $0x300  }
0x143: {  	s26 =	simm.s32 $0x480;
	s21 =	simm.s32 $0x500;
	s20 =	rddreg [dreg:$0x7]  }
.Lfunc_end2:
_tile_overlayer_lowered:
.L_overlay_start_2:
0x144: {  	(tag) =	ssettag $0x2  }
0x145: {  	s0 =	rddreg [dreg:$0x0];
	s2 =	stileid.u32  }
0x146: {  	s1 =	rddreg [dreg:$0x1];
	p0 =	sne.s32 s2, $0x0  }
0x147: {  	s3 =	rddreg [dreg:$0x2];
	[bflag:$0x3] =	sbarrier.arrive $0xFFFF;
	s2 =	simm.s32 @!p0 $0x1C04  }
0x148: {  	[timem:s3], [sflag:s2] =	dma.local @!p0 [hbm:s0], s1  }
0x149: {  	s0 =	simm.s32 @!p0 $0x4  }
0x14a: {  	_ =	swait.ge @!p0 [sflag:s0], s1  }
0x14b: {  	s1 =	ssub.s32 @!p0 $0x0, s1;
	[sflag:s0] =	ssyncset.done @!p0 $0x0  }
0x14c: {  	[sflag:s0] =	ssyncadd.s32 @!p0 s1  }
0x14d: {  	[bflag:$0x3] =	sbarrier.arrive $0xFFFF  }
0x14e: {  	_ =	shalt  }

</sc_bundles>
